<compile_context>
chip_gen: v7x
topology: tpu7x:2x2x1
jax: 0.10.2.dev20260603
libtpu: 0.0.44.dev20260713+nightly
codegen_flags: <defaults>
</compile_context>

<pallas_src>
import jax
import jax.numpy as jnp
from jax import lax
from jax.experimental import pallas as pl
from jax.experimental.pallas import tpu as pltpu
from jax.experimental.pallas import tpu_sc as plsc

EMBED = 32
OUT_D = 96
PAD_D = 128
N_ROWS = 2 * 7 * 21
BATCH = 16384
NC, NS = 2, 16
NW = NC * NS
BPW = BATCH // NW
CHUNK = 128
NCH = BPW // CHUNK
L = 16


def _body(xs, wcat, out, idx_v, fused_v, tab_v, rows_v, rows96_v, sem, tsem, wsem):
    c = lax.axis_index("c")
    s = lax.axis_index("s")
    wid = s * NC + c
    rbase = wid * NCH
    base = wid * BPW

    @pl.when(s == 0)
    def _stage_table():
        pltpu.async_copy(wcat, tab_v, tsem)

    pltpu.sync_copy(xs.at[:, pl.ds(rbase, NCH)], idx_v)

    for j in range(NCH):
        for i in range(CHUNK // L):
            sl = pl.ds(i * L, L)
            g = idx_v[0, j, sl]
            a = idx_v[1, j, sl]
            o = idx_v[2, j, sl]
            fused_v[j, sl] = g * 147 + a * 21 + o

    @pl.when(s == 0)
    def _wait_table():
        pltpu.make_async_copy(wcat, tab_v, tsem).wait()

    plsc.subcore_barrier()

    gathers = [None, None]
    gathers[0] = pltpu.async_copy(tab_v.at[fused_v.at[0]], rows_v.at[0], sem)
    wbs = []
    for j in range(NCH):
        if j + 1 < NCH:
            gathers[(j + 1) % 2] = pltpu.async_copy(
                tab_v.at[fused_v.at[j + 1]], rows_v.at[(j + 1) % 2], sem)
        gathers[j % 2].wait()

        def _compact(i, jj=j):
            for cc in range(OUT_D // L):
                sl = pl.ds(cc * L, L)
                rows96_v[jj * CHUNK + i, sl] = rows_v[jj % 2, i, sl]

        pl.loop(0, CHUNK)(_compact)
        wbs.append(pltpu.async_copy(
            rows96_v.at[pl.ds(j * CHUNK, CHUNK)],
            out.at[pl.ds(base + j * CHUNK, CHUNK)], wsem))
    for d in wbs:
        d.wait()


def kernel(x1, W_gender, W_age, W_occupation):
    xs = x1.T.reshape(3, BATCH // CHUNK, CHUNK)
    wg = jnp.pad(W_gender, ((0, 0), (0, PAD_D - EMBED)))
    wa = jnp.pad(W_age, ((0, 0), (EMBED, PAD_D - 2 * EMBED)))
    wo = jnp.pad(W_occupation, ((0, 0), (2 * EMBED, PAD_D - 3 * EMBED)))
    wcat = (
        wg[:, None, None, :] + wa[None, :, None, :] + wo[None, None, :, :]
    ).reshape(N_ROWS, PAD_D)
    k = pl.kernel(
        _body,
        out_type=jax.ShapeDtypeStruct((BATCH, OUT_D), jnp.float32),
        mesh=plsc.VectorSubcoreMesh(core_axis_name="c", subcore_axis_name="s"),
        scratch_types=[
            pltpu.VMEM((3, NCH, CHUNK), jnp.int32),
            pltpu.VMEM((NCH, CHUNK), jnp.int32),
            pltpu.VMEM_SHARED((N_ROWS, PAD_D), jnp.float32),
            pltpu.VMEM((2, CHUNK, PAD_D), jnp.float32),
            pltpu.VMEM((BPW, OUT_D), jnp.float32),
            pltpu.SemaphoreType.DMA,
            pltpu.SemaphoreType.DMA,
            pltpu.SemaphoreType.DMA,
        ],
    )
    return k(xs, wcat)

# --- scband reference (transcript-rebuilt; emitter-appended) ---
"""Pipeline reference for scband-mluser-loading-54666343744135 (READ-ONLY COPY).

The authoritative reference and input builder live on the scoring server;
editing this copy changes nothing except your own understanding.
"""

import jax, jax.numpy as jnp
import numpy as np

N_GENDER = 2
N_AGE = 7
N_OCCUPATION = 21
EMBED_DIM = 32
BATCH = 16384

def setup_inputs(seed: int = 0) -> dict:
    key = jax.random.key(seed)
    k1, k2, k3, k4 = jax.random.split(key, 4)
    x1 = jax.random.randint(k1, (BATCH, 3), 0, 2, dtype=jnp.int64 if jax.config.jax_enable_x64 else jnp.int32).astype(jnp.int32)
    W_gender = jax.random.normal(k2, (N_GENDER, EMBED_DIM), dtype=jnp.float32)
    W_age = jax.random.normal(k3, (N_AGE, EMBED_DIM), dtype=jnp.float32)
    W_occupation = jax.random.normal(k4, (N_OCCUPATION, EMBED_DIM), dtype=jnp.float32)
    return {"x1": x1, "W_gender": W_gender, "W_age": W_age, "W_occupation": W_occupation}

def reference(x1, W_gender, W_age, W_occupation):
    gender_idx = x1[:, 0].astype(jnp.int32)
    age_idx = x1[:, 1].astype(jnp.int32)
    occupation_idx = x1[:, 2].astype(jnp.int32)
    gender_emb = jnp.take(W_gender, gender_idx, axis=0)
    age_emb = jnp.take(W_age, age_idx, axis=0)
    occupation_emb = jnp.take(W_occupation, occupation_idx, axis=0)
    concat_emb = jnp.concatenate((gender_emb, age_emb, occupation_emb), axis=1)
    return concat_emb

if __name__ == "__main__":
    import jax
    _d = setup_inputs()
    print(jax.jit(kernel)(*tuple(_d.values())))

</pallas_src>

<mosaic_0001>
#map = affine_map<(d0, d1) -> (0, 0, 0)>
#map1 = affine_map<(d0, d1) -> (0, 0)>
module attributes {stable_mosaic.version = 14 : i64} {
  func.func @_body(%arg0: i32, %arg1: i32, %arg2: memref<3x128x128xi32, #tpu.memory_space<hbm>>, %arg3: memref<294x128xf32, #tpu.memory_space<hbm>>, %arg4: memref<16384x96xf32, #tpu.memory_space<hbm>>, %arg5: memref<3x4x128xi32, #tpu.memory_space<vmem>>, %arg6: memref<4x128xi32, #tpu.memory_space<vmem>>, %arg7: memref<294x128xf32, #tpu.memory_space<vmem_shared>>, %arg8: memref<2x128x128xf32, #tpu.memory_space<vmem>>, %arg9: memref<512x96xf32, #tpu.memory_space<vmem>>, %arg10: memref<!tpu.dma_semaphore, #tpu.memory_space<semaphore_mem>>, %arg11: memref<!tpu.dma_semaphore, #tpu.memory_space<semaphore_mem>>, %arg12: memref<!tpu.dma_semaphore, #tpu.memory_space<semaphore_mem>>) attributes {dimension_semantics = [#tpu.dimension_semantics<core_parallel>, #tpu.dimension_semantics<subcore_parallel>], iteration_bounds = array<i64: 2, 16>, scalar_prefetch = 0 : i64, scratch_operands = 8 : i64, tpu.core_type = #tpu.core_type<sc_vector_subcore>, window_params = [{transform_indices = #map}, {transform_indices = #map1}, {transform_indices = #map1}]} {
    %mul3A = arith.constant 2 : i32
    %mul3A_0 = arith.muli %arg1, %mul3A : i32
    %add3A = arith.addi %mul3A_0, %arg0 : i32
    %mul3A_1 = arith.constant 4 : i32
    %mul3A_2 = arith.muli %add3A, %mul3A_1 : i32
    %mul3A_3 = arith.constant 512 : i32
    %mul3A_4 = arith.muli %add3A, %mul3A_3 : i32
    %eq3A = arith.constant 0 : i32
    %eq3A_5 = arith.cmpi eq, %arg1, %eq3A : i32
    %convert_element_type3A = arith.extui %eq3A_5 : i1 to i32
    %cond3A = arith.constant 0 : i32
    %cond3A_6 = arith.cmpi ne, %convert_element_type3A, %cond3A : i32
    scf.if %cond3A_6 {
      tpu.enqueue_dma source(%arg3 : memref<294x128xf32, #tpu.memory_space<hbm>>) target(%arg7 : memref<294x128xf32, #tpu.memory_space<vmem_shared>>) target_semaphore(%arg11 : memref<!tpu.dma_semaphore, #tpu.memory_space<semaphore_mem>>)
    } else {
    }
    "tpu.region"() ({
      %run_scoped3A = tpu.sem_alloc : memref<!tpu.dma_semaphore, #tpu.memory_space<semaphore_mem>>
      %dma_start3A_1331 = arith.constant 0 : i32
      %dma_start3A_1332 = arith.constant 0 : i32
      %dma_start3A_1333 = tpu.memref_slice %arg2[%dma_start3A_1331, %mul3A_2, %dma_start3A_1332] : memref<3x128x128xi32, #tpu.memory_space<hbm>> -> memref<3x4x128xi32, #tpu.memory_space<hbm>>
      %dma_start3A_1334 = arith.constant 0 : i32
      %dma_start3A_1335 = arith.constant 0 : i32
      %dma_start3A_1336 = tpu.memref_slice %arg2[%dma_start3A_1334, %mul3A_2, %dma_start3A_1335] : memref<3x128x128xi32, #tpu.memory_space<hbm>> -> memref<3x4x128xi32, #tpu.memory_space<hbm>>
      tpu.enqueue_dma source(%dma_start3A_1336 : memref<3x4x128xi32, #tpu.memory_space<hbm>>) target(%arg5 : memref<3x4x128xi32, #tpu.memory_space<vmem>>) target_semaphore(%run_scoped3A : memref<!tpu.dma_semaphore, #tpu.memory_space<semaphore_mem>>)
      %dma_wait3A_1337 = arith.constant 0 : i32
      %dma_wait3A_1338 = arith.constant 0 : i32
      %dma_wait3A_1339 = tpu.memref_slice %arg2[%dma_wait3A_1337, %mul3A_2, %dma_wait3A_1338] : memref<3x128x128xi32, #tpu.memory_space<hbm>> -> memref<3x4x128xi32, #tpu.memory_space<hbm>>
      %dma_wait3A_1340 = arith.constant 0 : i32
      %dma_wait3A_1341 = arith.constant 0 : i32
      %dma_wait3A_1342 = tpu.memref_slice %arg2[%dma_wait3A_1340, %mul3A_2, %dma_wait3A_1341] : memref<3x128x128xi32, #tpu.memory_space<hbm>> -> memref<3x4x128xi32, #tpu.memory_space<hbm>>
      tpu.wait_dma2 semaphore(%run_scoped3A : memref<!tpu.dma_semaphore, #tpu.memory_space<semaphore_mem>>) src(%dma_wait3A_1342 : memref<3x4x128xi32, #tpu.memory_space<hbm>>) dst(%arg5 : memref<3x4x128xi32, #tpu.memory_space<vmem>>)
      tpu.yield
    }) : () -> ()
    %get3A = arith.constant 0 : i32
    %get3A_7 = arith.constant 0 : i32
    %get3A_8 = arith.index_cast %get3A : i32 to index
    %get3A_9 = arith.index_cast %get3A_7 : i32 to index
    %get3A_10 = arith.constant 0 : index
    %get3A_11 = tpu.vector_load %arg5[%get3A_8, %get3A_9, %get3A_10] {strides = array<i32>} : memref<3x4x128xi32, #tpu.memory_space<vmem>>, vector<1x1x16xi32>,
    %get3A_12 = vector.shape_cast %get3A_11 : vector<1x1x16xi32> to vector<16xi32>
    %get3A_13 = arith.constant 1 : i32
    %get3A_14 = arith.constant 0 : i32
    %get3A_15 = arith.index_cast %get3A_13 : i32 to index
    %get3A_16 = arith.index_cast %get3A_14 : i32 to index
    %get3A_17 = arith.constant 0 : index
    %get3A_18 = tpu.vector_load %arg5[%get3A_15, %get3A_16, %get3A_17] {strides = array<i32>} : memref<3x4x128xi32, #tpu.memory_space<vmem>>, vector<1x1x16xi32>,
    %get3A_19 = vector.shape_cast %get3A_18 : vector<1x1x16xi32> to vector<16xi32>
    %get3A_20 = arith.constant 2 : i32
    %get3A_21 = arith.constant 0 : i32
    %get3A_22 = arith.index_cast %get3A_20 : i32 to index
    %get3A_23 = arith.index_cast %get3A_21 : i32 to index
    %get3A_24 = arith.constant 0 : index
    %get3A_25 = tpu.vector_load %arg5[%get3A_22, %get3A_23, %get3A_24] {strides = array<i32>} : memref<3x4x128xi32, #tpu.memory_space<vmem>>, vector<1x1x16xi32>,
    %get3A_26 = vector.shape_cast %get3A_25 : vector<1x1x16xi32> to vector<16xi32>
    %mul3A_27 = arith.constant 147 : i32
    %mul3A_28 = vector.broadcast %mul3A_27 : i32 to vector<16xi32>
    %mul3A_29 = arith.muli %get3A_12, %mul3A_28 : vector<16xi32>
    %mul3A_30 = arith.constant 21 : i32
    %mul3A_31 = vector.broadcast %mul3A_30 : i32 to vector<16xi32>
    %mul3A_32 = arith.muli %get3A_19, %mul3A_31 : vector<16xi32>
    %add3A_33 = arith.addi %mul3A_29, %mul3A_32 : vector<16xi32>
    %add3A_34 = arith.addi %add3A_33, %get3A_26 : vector<16xi32>
    %swap3A = arith.constant 0 : i32
    %swap3A_35 = arith.index_cast %swap3A : i32 to index
    %swap3A_36 = arith.constant 0 : index
    %swap3A_37 = tpu.vector_load %arg6[%swap3A_35, %swap3A_36] {strides = array<i32>} : memref<4x128xi32, #tpu.memory_space<vmem>>, vector<1x16xi32>,
    %swap3A_38 = vector.shape_cast %swap3A_37 : vector<1x16xi32> to vector<16xi32>
    %swap3A_39 = vector.shape_cast %add3A_34 : vector<16xi32> to vector<1x16xi32>
    tpu.vector_store %arg6[%swap3A_35, %swap3A_36], %swap3A_39 {strides = array<i32>} : memref<4x128xi32, #tpu.memory_space<vmem>>, vector<1x16xi32>,
    %get3A_40 = arith.constant 0 : i32
    %get3A_41 = arith.constant 0 : i32
    %get3A_42 = arith.index_cast %get3A_40 : i32 to index
    %get3A_43 = arith.index_cast %get3A_41 : i32 to index
    %get3A_44 = arith.constant 16 : index
    %get3A_45 = tpu.vector_load %arg5[%get3A_42, %get3A_43, %get3A_44] {strides = array<i32>} : memref<3x4x128xi32, #tpu.memory_space<vmem>>, vector<1x1x16xi32>,
    %get3A_46 = vector.shape_cast %get3A_45 : vector<1x1x16xi32> to vector<16xi32>
    %get3A_47 = arith.constant 1 : i32
    %get3A_48 = arith.constant 0 : i32
    %get3A_49 = arith.index_cast %get3A_47 : i32 to index
    %get3A_50 = arith.index_cast %get3A_48 : i32 to index
    %get3A_51 = arith.constant 16 : index
    %get3A_52 = tpu.vector_load %arg5[%get3A_49, %get3A_50, %get3A_51] {strides = array<i32>} : memref<3x4x128xi32, #tpu.memory_space<vmem>>, vector<1x1x16xi32>,
    %get3A_53 = vector.shape_cast %get3A_52 : vector<1x1x16xi32> to vector<16xi32>
    %get3A_54 = arith.constant 2 : i32
    %get3A_55 = arith.constant 0 : i32
    %get3A_56 = arith.index_cast %get3A_54 : i32 to index
    %get3A_57 = arith.index_cast %get3A_55 : i32 to index
    %get3A_58 = arith.constant 16 : index
    %get3A_59 = tpu.vector_load %arg5[%get3A_56, %get3A_57, %get3A_58] {strides = array<i32>} : memref<3x4x128xi32, #tpu.memory_space<vmem>>, vector<1x1x16xi32>,
    %get3A_60 = vector.shape_cast %get3A_59 : vector<1x1x16xi32> to vector<16xi32>
    %mul3A_61 = arith.constant 147 : i32
    %mul3A_62 = vector.broadcast %mul3A_61 : i32 to vector<16xi32>
    %mul3A_63 = arith.muli %get3A_46, %mul3A_62 : vector<16xi32>
    %mul3A_64 = arith.constant 21 : i32
    %mul3A_65 = vector.broadcast %mul3A_64 : i32 to vector<16xi32>
    %mul3A_66 = arith.muli %get3A_53, %mul3A_65 : vector<16xi32>
    %add3A_67 = arith.addi %mul3A_63, %mul3A_66 : vector<16xi32>
    %add3A_68 = arith.addi %add3A_67, %get3A_60 : vector<16xi32>
    %swap3A_69 = arith.constant 0 : i32
    %swap3A_70 = arith.index_cast %swap3A_69 : i32 to index
    %swap3A_71 = arith.constant 16 : index
    %swap3A_72 = tpu.vector_load %arg6[%swap3A_70, %swap3A_71] {strides = array<i32>} : memref<4x128xi32, #tpu.memory_space<vmem>>, vector<1x16xi32>,
    %swap3A_73 = vector.shape_cast %swap3A_72 : vector<1x16xi32> to vector<16xi32>
    %swap3A_74 = vector.shape_cast %add3A_68 : vector<16xi32> to vector<1x16xi32>
    tpu.vector_store %arg6[%swap3A_70, %swap3A_71], %swap3A_74 {strides = array<i32>} : memref<4x128xi32, #tpu.memory_space<vmem>>, vector<1x16xi32>,
    %get3A_75 = arith.constant 0 : i32
    %get3A_76 = arith.constant 0 : i32
    %get3A_77 = arith.index_cast %get3A_75 : i32 to index
    %get3A_78 = arith.index_cast %get3A_76 : i32 to index
    %get3A_79 = arith.constant 32 : index
    %get3A_80 = tpu.vector_load %arg5[%get3A_77, %get3A_78, %get3A_79] {strides = array<i32>} : memref<3x4x128xi32, #tpu.memory_space<vmem>>, vector<1x1x16xi32>,
    %get3A_81 = vector.shape_cast %get3A_80 : vector<1x1x16xi32> to vector<16xi32>
    %get3A_82 = arith.constant 1 : i32
    %get3A_83 = arith.constant 0 : i32
    %get3A_84 = arith.index_cast %get3A_82 : i32 to index
    %get3A_85 = arith.index_cast %get3A_83 : i32 to index
    %get3A_86 = arith.constant 32 : index
    %get3A_87 = tpu.vector_load %arg5[%get3A_84, %get3A_85, %get3A_86] {strides = array<i32>} : memref<3x4x128xi32, #tpu.memory_space<vmem>>, vector<1x1x16xi32>,
    %get3A_88 = vector.shape_cast %get3A_87 : vector<1x1x16xi32> to vector<16xi32>
    %get3A_89 = arith.constant 2 : i32
    %get3A_90 = arith.constant 0 : i32
    %get3A_91 = arith.index_cast %get3A_89 : i32 to index
    %get3A_92 = arith.index_cast %get3A_90 : i32 to index
    %get3A_93 = arith.constant 32 : index
    %get3A_94 = tpu.vector_load %arg5[%get3A_91, %get3A_92, %get3A_93] {strides = array<i32>} : memref<3x4x128xi32, #tpu.memory_space<vmem>>, vector<1x1x16xi32>,
    %get3A_95 = vector.shape_cast %get3A_94 : vector<1x1x16xi32> to vector<16xi32>
    %mul3A_96 = arith.constant 147 : i32
    %mul3A_97 = vector.broadcast %mul3A_96 : i32 to vector<16xi32>
    %mul3A_98 = arith.muli %get3A_81, %mul3A_97 : vector<16xi32>
    %mul3A_99 = arith.constant 21 : i32
    %mul3A_100 = vector.broadcast %mul3A_99 : i32 to vector<16xi32>
    %mul3A_101 = arith.muli %get3A_88, %mul3A_100 : vector<16xi32>
    %add3A_102 = arith.addi %mul3A_98, %mul3A_101 : vector<16xi32>
    %add3A_103 = arith.addi %add3A_102, %get3A_95 : vector<16xi32>
    %swap3A_104 = arith.constant 0 : i32
    %swap3A_105 = arith.index_cast %swap3A_104 : i32 to index
    %swap3A_106 = arith.constant 32 : index
    %swap3A_107 = tpu.vector_load %arg6[%swap3A_105, %swap3A_106] {strides = array<i32>} : memref<4x128xi32, #tpu.memory_space<vmem>>, vector<1x16xi32>,
    %swap3A_108 = vector.shape_cast %swap3A_107 : vector<1x16xi32> to vector<16xi32>
    %swap3A_109 = vector.shape_cast %add3A_103 : vector<16xi32> to vector<1x16xi32>
    tpu.vector_store %arg6[%swap3A_105, %swap3A_106], %swap3A_109 {strides = array<i32>} : memref<4x128xi32, #tpu.memory_space<vmem>>, vector<1x16xi32>,
    %get3A_110 = arith.constant 0 : i32
    %get3A_111 = arith.constant 0 : i32
    %get3A_112 = arith.index_cast %get3A_110 : i32 to index
    %get3A_113 = arith.index_cast %get3A_111 : i32 to index
    %get3A_114 = arith.constant 48 : index
    %get3A_115 = tpu.vector_load %arg5[%get3A_112, %get3A_113, %get3A_114] {strides = array<i32>} : memref<3x4x128xi32, #tpu.memory_space<vmem>>, vector<1x1x16xi32>,
    %get3A_116 = vector.shape_cast %get3A_115 : vector<1x1x16xi32> to vector<16xi32>
    %get3A_117 = arith.constant 1 : i32
    %get3A_118 = arith.constant 0 : i32
    %get3A_119 = arith.index_cast %get3A_117 : i32 to index
    %get3A_120 = arith.index_cast %get3A_118 : i32 to index
    %get3A_121 = arith.constant 48 : index
    %get3A_122 = tpu.vector_load %arg5[%get3A_119, %get3A_120, %get3A_121] {strides = array<i32>} : memref<3x4x128xi32, #tpu.memory_space<vmem>>, vector<1x1x16xi32>,
    %get3A_123 = vector.shape_cast %get3A_122 : vector<1x1x16xi32> to vector<16xi32>
    %get3A_124 = arith.constant 2 : i32
    %get3A_125 = arith.constant 0 : i32
    %get3A_126 = arith.index_cast %get3A_124 : i32 to index
    %get3A_127 = arith.index_cast %get3A_125 : i32 to index
    %get3A_128 = arith.constant 48 : index
    %get3A_129 = tpu.vector_load %arg5[%get3A_126, %get3A_127, %get3A_128] {strides = array<i32>} : memref<3x4x128xi32, #tpu.memory_space<vmem>>, vector<1x1x16xi32>,
    %get3A_130 = vector.shape_cast %get3A_129 : vector<1x1x16xi32> to vector<16xi32>
    %mul3A_131 = arith.constant 147 : i32
    %mul3A_132 = vector.broadcast %mul3A_131 : i32 to vector<16xi32>
    %mul3A_133 = arith.muli %get3A_116, %mul3A_132 : vector<16xi32>
    %mul3A_134 = arith.constant 21 : i32
    %mul3A_135 = vector.broadcast %mul3A_134 : i32 to vector<16xi32>
    %mul3A_136 = arith.muli %get3A_123, %mul3A_135 : vector<16xi32>
    %add3A_137 = arith.addi %mul3A_133, %mul3A_136 : vector<16xi32>
    %add3A_138 = arith.addi %add3A_137, %get3A_130 : vector<16xi32>
    %swap3A_139 = arith.constant 0 : i32
    %swap3A_140 = arith.index_cast %swap3A_139 : i32 to index
    %swap3A_141 = arith.constant 48 : index
    %swap3A_142 = tpu.vector_load %arg6[%swap3A_140, %swap3A_141] {strides = array<i32>} : memref<4x128xi32, #tpu.memory_space<vmem>>, vector<1x16xi32>,
    %swap3A_143 = vector.shape_cast %swap3A_142 : vector<1x16xi32> to vector<16xi32>
    %swap3A_144 = vector.shape_cast %add3A_138 : vector<16xi32> to vector<1x16xi32>
    tpu.vector_store %arg6[%swap3A_140, %swap3A_141], %swap3A_144 {strides = array<i32>} : memref<4x128xi32, #tpu.memory_space<vmem>>, vector<1x16xi32>,
    %get3A_145 = arith.constant 0 : i32
    %get3A_146 = arith.constant 0 : i32
    %get3A_147 = arith.index_cast %get3A_145 : i32 to index
    %get3A_148 = arith.index_cast %get3A_146 : i32 to index
    %get3A_149 = arith.constant 64 : index
    %get3A_150 = tpu.vector_load %arg5[%get3A_147, %get3A_148, %get3A_149] {strides = array<i32>} : memref<3x4x128xi32, #tpu.memory_space<vmem>>, vector<1x1x16xi32>,
    %get3A_151 = vector.shape_cast %get3A_150 : vector<1x1x16xi32> to vector<16xi32>
    %get3A_152 = arith.constant 1 : i32
    %get3A_153 = arith.constant 0 : i32
    %get3A_154 = arith.index_cast %get3A_152 : i32 to index
    %get3A_155 = arith.index_cast %get3A_153 : i32 to index
    %get3A_156 = arith.constant 64 : index
    %get3A_157 = tpu.vector_load %arg5[%get3A_154, %get3A_155, %get3A_156] {strides = array<i32>} : memref<3x4x128xi32, #tpu.memory_space<vmem>>, vector<1x1x16xi32>,
    %get3A_158 = vector.shape_cast %get3A_157 : vector<1x1x16xi32> to vector<16xi32>
    %get3A_159 = arith.constant 2 : i32
    %get3A_160 = arith.constant 0 : i32
    %get3A_161 = arith.index_cast %get3A_159 : i32 to index
    %get3A_162 = arith.index_cast %get3A_160 : i32 to index
    %get3A_163 = arith.constant 64 : index
    %get3A_164 = tpu.vector_load %arg5[%get3A_161, %get3A_162, %get3A_163] {strides = array<i32>} : memref<3x4x128xi32, #tpu.memory_space<vmem>>, vector<1x1x16xi32>,
    %get3A_165 = vector.shape_cast %get3A_164 : vector<1x1x16xi32> to vector<16xi32>
    %mul3A_166 = arith.constant 147 : i32
    %mul3A_167 = vector.broadcast %mul3A_166 : i32 to vector<16xi32>
    %mul3A_168 = arith.muli %get3A_151, %mul3A_167 : vector<16xi32>
    %mul3A_169 = arith.constant 21 : i32
    %mul3A_170 = vector.broadcast %mul3A_169 : i32 to vector<16xi32>
    %mul3A_171 = arith.muli %get3A_158, %mul3A_170 : vector<16xi32>
    %add3A_172 = arith.addi %mul3A_168, %mul3A_171 : vector<16xi32>
    %add3A_173 = arith.addi %add3A_172, %get3A_165 : vector<16xi32>
    %swap3A_174 = arith.constant 0 : i32
    %swap3A_175 = arith.index_cast %swap3A_174 : i32 to index
    %swap3A_176 = arith.constant 64 : index
    %swap3A_177 = tpu.vector_load %arg6[%swap3A_175, %swap3A_176] {strides = array<i32>} : memref<4x128xi32, #tpu.memory_space<vmem>>, vector<1x16xi32>,
    %swap3A_178 = vector.shape_cast %swap3A_177 : vector<1x16xi32> to vector<16xi32>
    %swap3A_179 = vector.shape_cast %add3A_173 : vector<16xi32> to vector<1x16xi32>
    tpu.vector_store %arg6[%swap3A_175, %swap3A_176], %swap3A_179 {strides = array<i32>} : memref<4x128xi32, #tpu.memory_space<vmem>>, vector<1x16xi32>,
    %get3A_180 = arith.constant 0 : i32
    %get3A_181 = arith.constant 0 : i32
    %get3A_182 = arith.index_cast %get3A_180 : i32 to index
    %get3A_183 = arith.index_cast %get3A_181 : i32 to index
    %get3A_184 = arith.constant 80 : index
    %get3A_185 = tpu.vector_load %arg5[%get3A_182, %get3A_183, %get3A_184] {strides = array<i32>} : memref<3x4x128xi32, #tpu.memory_space<vmem>>, vector<1x1x16xi32>,
    %get3A_186 = vector.shape_cast %get3A_185 : vector<1x1x16xi32> to vector<16xi32>
    %get3A_187 = arith.constant 1 : i32
    %get3A_188 = arith.constant 0 : i32
    %get3A_189 = arith.index_cast %get3A_187 : i32 to index
    %get3A_190 = arith.index_cast %get3A_188 : i32 to index
    %get3A_191 = arith.constant 80 : index
    %get3A_192 = tpu.vector_load %arg5[%get3A_189, %get3A_190, %get3A_191] {strides = array<i32>} : memref<3x4x128xi32, #tpu.memory_space<vmem>>, vector<1x1x16xi32>,
    %get3A_193 = vector.shape_cast %get3A_192 : vector<1x1x16xi32> to vector<16xi32>
    %get3A_194 = arith.constant 2 : i32
    %get3A_195 = arith.constant 0 : i32
    %get3A_196 = arith.index_cast %get3A_194 : i32 to index
    %get3A_197 = arith.index_cast %get3A_195 : i32 to index
    %get3A_198 = arith.constant 80 : index
    %get3A_199 = tpu.vector_load %arg5[%get3A_196, %get3A_197, %get3A_198] {strides = array<i32>} : memref<3x4x128xi32, #tpu.memory_space<vmem>>, vector<1x1x16xi32>,
    %get3A_200 = vector.shape_cast %get3A_199 : vector<1x1x16xi32> to vector<16xi32>
    %mul3A_201 = arith.constant 147 : i32
    %mul3A_202 = vector.broadcast %mul3A_201 : i32 to vector<16xi32>
    %mul3A_203 = arith.muli %get3A_186, %mul3A_202 : vector<16xi32>
    %mul3A_204 = arith.constant 21 : i32
    %mul3A_205 = vector.broadcast %mul3A_204 : i32 to vector<16xi32>
    %mul3A_206 = arith.muli %get3A_193, %mul3A_205 : vector<16xi32>
    %add3A_207 = arith.addi %mul3A_203, %mul3A_206 : vector<16xi32>
    %add3A_208 = arith.addi %add3A_207, %get3A_200 : vector<16xi32>
    %swap3A_209 = arith.constant 0 : i32
    %swap3A_210 = arith.index_cast %swap3A_209 : i32 to index
    %swap3A_211 = arith.constant 80 : index
    %swap3A_212 = tpu.vector_load %arg6[%swap3A_210, %swap3A_211] {strides = array<i32>} : memref<4x128xi32, #tpu.memory_space<vmem>>, vector<1x16xi32>,
    %swap3A_213 = vector.shape_cast %swap3A_212 : vector<1x16xi32> to vector<16xi32>
    %swap3A_214 = vector.shape_cast %add3A_208 : vector<16xi32> to vector<1x16xi32>
    tpu.vector_store %arg6[%swap3A_210, %swap3A_211], %swap3A_214 {strides = array<i32>} : memref<4x128xi32, #tpu.memory_space<vmem>>, vector<1x16xi32>,
    %get3A_215 = arith.constant 0 : i32
    %get3A_216 = arith.constant 0 : i32
    %get3A_217 = arith.index_cast %get3A_215 : i32 to index
    %get3A_218 = arith.index_cast %get3A_216 : i32 to index
    %get3A_219 = arith.constant 96 : index
    %get3A_220 = tpu.vector_load %arg5[%get3A_217, %get3A_218, %get3A_219] {strides = array<i32>} : memref<3x4x128xi32, #tpu.memory_space<vmem>>, vector<1x1x16xi32>,
    %get3A_221 = vector.shape_cast %get3A_220 : vector<1x1x16xi32> to vector<16xi32>
    %get3A_222 = arith.constant 1 : i32
    %get3A_223 = arith.constant 0 : i32
    %get3A_224 = arith.index_cast %get3A_222 : i32 to index
    %get3A_225 = arith.index_cast %get3A_223 : i32 to index
    %get3A_226 = arith.constant 96 : index
    %get3A_227 = tpu.vector_load %arg5[%get3A_224, %get3A_225, %get3A_226] {strides = array<i32>} : memref<3x4x128xi32, #tpu.memory_space<vmem>>, vector<1x1x16xi32>,
    %get3A_228 = vector.shape_cast %get3A_227 : vector<1x1x16xi32> to vector<16xi32>
    %get3A_229 = arith.constant 2 : i32
    %get3A_230 = arith.constant 0 : i32
    %get3A_231 = arith.index_cast %get3A_229 : i32 to index
    %get3A_232 = arith.index_cast %get3A_230 : i32 to index
    %get3A_233 = arith.constant 96 : index
    %get3A_234 = tpu.vector_load %arg5[%get3A_231, %get3A_232, %get3A_233] {strides = array<i32>} : memref<3x4x128xi32, #tpu.memory_space<vmem>>, vector<1x1x16xi32>,
    %get3A_235 = vector.shape_cast %get3A_234 : vector<1x1x16xi32> to vector<16xi32>
    %mul3A_236 = arith.constant 147 : i32
    %mul3A_237 = vector.broadcast %mul3A_236 : i32 to vector<16xi32>
    %mul3A_238 = arith.muli %get3A_221, %mul3A_237 : vector<16xi32>
    %mul3A_239 = arith.constant 21 : i32
    %mul3A_240 = vector.broadcast %mul3A_239 : i32 to vector<16xi32>
    %mul3A_241 = arith.muli %get3A_228, %mul3A_240 : vector<16xi32>
    %add3A_242 = arith.addi %mul3A_238, %mul3A_241 : vector<16xi32>
    %add3A_243 = arith.addi %add3A_242, %get3A_235 : vector<16xi32>
    %swap3A_244 = arith.constant 0 : i32
    %swap3A_245 = arith.index_cast %swap3A_244 : i32 to index
    %swap3A_246 = arith.constant 96 : index
    %swap3A_247 = tpu.vector_load %arg6[%swap3A_245, %swap3A_246] {strides = array<i32>} : memref<4x128xi32, #tpu.memory_space<vmem>>, vector<1x16xi32>,
    %swap3A_248 = vector.shape_cast %swap3A_247 : vector<1x16xi32> to vector<16xi32>
    %swap3A_249 = vector.shape_cast %add3A_243 : vector<16xi32> to vector<1x16xi32>
    tpu.vector_store %arg6[%swap3A_245, %swap3A_246], %swap3A_249 {strides = array<i32>} : memref<4x128xi32, #tpu.memory_space<vmem>>, vector<1x16xi32>,
    %get3A_250 = arith.constant 0 : i32
    %get3A_251 = arith.constant 0 : i32
    %get3A_252 = arith.index_cast %get3A_250 : i32 to index
    %get3A_253 = arith.index_cast %get3A_251 : i32 to index
    %get3A_254 = arith.constant 112 : index
    %get3A_255 = tpu.vector_load %arg5[%get3A_252, %get3A_253, %get3A_254] {strides = array<i32>} : memref<3x4x128xi32, #tpu.memory_space<vmem>>, vector<1x1x16xi32>,
    %get3A_256 = vector.shape_cast %get3A_255 : vector<1x1x16xi32> to vector<16xi32>
    %get3A_257 = arith.constant 1 : i32
    %get3A_258 = arith.constant 0 : i32
    %get3A_259 = arith.index_cast %get3A_257 : i32 to index
    %get3A_260 = arith.index_cast %get3A_258 : i32 to index
    %get3A_261 = arith.constant 112 : index
    %get3A_262 = tpu.vector_load %arg5[%get3A_259, %get3A_260, %get3A_261] {strides = array<i32>} : memref<3x4x128xi32, #tpu.memory_space<vmem>>, vector<1x1x16xi32>,
    %get3A_263 = vector.shape_cast %get3A_262 : vector<1x1x16xi32> to vector<16xi32>
    %get3A_264 = arith.constant 2 : i32
    %get3A_265 = arith.constant 0 : i32
    %get3A_266 = arith.index_cast %get3A_264 : i32 to index
    %get3A_267 = arith.index_cast %get3A_265 : i32 to index
    %get3A_268 = arith.constant 112 : index
    %get3A_269 = tpu.vector_load %arg5[%get3A_266, %get3A_267, %get3A_268] {strides = array<i32>} : memref<3x4x128xi32, #tpu.memory_space<vmem>>, vector<1x1x16xi32>,
    %get3A_270 = vector.shape_cast %get3A_269 : vector<1x1x16xi32> to vector<16xi32>
    %mul3A_271 = arith.constant 147 : i32
    %mul3A_272 = vector.broadcast %mul3A_271 : i32 to vector<16xi32>
    %mul3A_273 = arith.muli %get3A_256, %mul3A_272 : vector<16xi32>
    %mul3A_274 = arith.constant 21 : i32
    %mul3A_275 = vector.broadcast %mul3A_274 : i32 to vector<16xi32>
    %mul3A_276 = arith.muli %get3A_263, %mul3A_275 : vector<16xi32>
    %add3A_277 = arith.addi %mul3A_273, %mul3A_276 : vector<16xi32>
    %add3A_278 = arith.addi %add3A_277, %get3A_270 : vector<16xi32>
    %swap3A_279 = arith.constant 0 : i32
    %swap3A_280 = arith.index_cast %swap3A_279 : i32 to index
    %swap3A_281 = arith.constant 112 : index
    %swap3A_282 = tpu.vector_load %arg6[%swap3A_280, %swap3A_281] {strides = array<i32>} : memref<4x128xi32, #tpu.memory_space<vmem>>, vector<1x16xi32>,
    %swap3A_283 = vector.shape_cast %swap3A_282 : vector<1x16xi32> to vector<16xi32>
    %swap3A_284 = vector.shape_cast %add3A_278 : vector<16xi32> to vector<1x16xi32>
    tpu.vector_store %arg6[%swap3A_280, %swap3A_281], %swap3A_284 {strides = array<i32>} : memref<4x128xi32, #tpu.memory_space<vmem>>, vector<1x16xi32>,
    %get3A_285 = arith.constant 0 : i32
    %get3A_286 = arith.constant 1 : i32
    %get3A_287 = arith.index_cast %get3A_285 : i32 to index
    %get3A_288 = arith.index_cast %get3A_286 : i32 to index
    %get3A_289 = arith.constant 0 : index
    %get3A_290 = tpu.vector_load %arg5[%get3A_287, %get3A_288, %get3A_289] {strides = array<i32>} : memref<3x4x128xi32, #tpu.memory_space<vmem>>, vector<1x1x16xi32>,
    %get3A_291 = vector.shape_cast %get3A_290 : vector<1x1x16xi32> to vector<16xi32>
    %get3A_292 = arith.constant 1 : i32
    %get3A_293 = arith.constant 1 : i32
    %get3A_294 = arith.index_cast %get3A_292 : i32 to index
    %get3A_295 = arith.index_cast %get3A_293 : i32 to index
    %get3A_296 = arith.constant 0 : index
    %get3A_297 = tpu.vector_load %arg5[%get3A_294, %get3A_295, %get3A_296] {strides = array<i32>} : memref<3x4x128xi32, #tpu.memory_space<vmem>>, vector<1x1x16xi32>,
    %get3A_298 = vector.shape_cast %get3A_297 : vector<1x1x16xi32> to vector<16xi32>
    %get3A_299 = arith.constant 2 : i32
    %get3A_300 = arith.constant 1 : i32
    %get3A_301 = arith.index_cast %get3A_299 : i32 to index
    %get3A_302 = arith.index_cast %get3A_300 : i32 to index
    %get3A_303 = arith.constant 0 : index
    %get3A_304 = tpu.vector_load %arg5[%get3A_301, %get3A_302, %get3A_303] {strides = array<i32>} : memref<3x4x128xi32, #tpu.memory_space<vmem>>, vector<1x1x16xi32>,
    %get3A_305 = vector.shape_cast %get3A_304 : vector<1x1x16xi32> to vector<16xi32>
    %mul3A_306 = arith.constant 147 : i32
    %mul3A_307 = vector.broadcast %mul3A_306 : i32 to vector<16xi32>
    %mul3A_308 = arith.muli %get3A_291, %mul3A_307 : vector<16xi32>
    %mul3A_309 = arith.constant 21 : i32
    %mul3A_310 = vector.broadcast %mul3A_309 : i32 to vector<16xi32>
    %mul3A_311 = arith.muli %get3A_298, %mul3A_310 : vector<16xi32>
    %add3A_312 = arith.addi %mul3A_308, %mul3A_311 : vector<16xi32>
    %add3A_313 = arith.addi %add3A_312, %get3A_305 : vector<16xi32>
    %swap3A_314 = arith.constant 1 : i32
    %swap3A_315 = arith.index_cast %swap3A_314 : i32 to index
    %swap3A_316 = arith.constant 0 : index
    %swap3A_317 = tpu.vector_load %arg6[%swap3A_315, %swap3A_316] {strides = array<i32>} : memref<4x128xi32, #tpu.memory_space<vmem>>, vector<1x16xi32>,
    %swap3A_318 = vector.shape_cast %swap3A_317 : vector<1x16xi32> to vector<16xi32>
    %swap3A_319 = vector.shape_cast %add3A_313 : vector<16xi32> to vector<1x16xi32>
    tpu.vector_store %arg6[%swap3A_315, %swap3A_316], %swap3A_319 {strides = array<i32>} : memref<4x128xi32, #tpu.memory_space<vmem>>, vector<1x16xi32>,
    %get3A_320 = arith.constant 0 : i32
    %get3A_321 = arith.constant 1 : i32
    %get3A_322 = arith.index_cast %get3A_320 : i32 to index
    %get3A_323 = arith.index_cast %get3A_321 : i32 to index
    %get3A_324 = arith.constant 16 : index
    %get3A_325 = tpu.vector_load %arg5[%get3A_322, %get3A_323, %get3A_324] {strides = array<i32>} : memref<3x4x128xi32, #tpu.memory_space<vmem>>, vector<1x1x16xi32>,
    %get3A_326 = vector.shape_cast %get3A_325 : vector<1x1x16xi32> to vector<16xi32>
    %get3A_327 = arith.constant 1 : i32
    %get3A_328 = arith.constant 1 : i32
    %get3A_329 = arith.index_cast %get3A_327 : i32 to index
    %get3A_330 = arith.index_cast %get3A_328 : i32 to index
    %get3A_331 = arith.constant 16 : index
    %get3A_332 = tpu.vector_load %arg5[%get3A_329, %get3A_330, %get3A_331] {strides = array<i32>} : memref<3x4x128xi32, #tpu.memory_space<vmem>>, vector<1x1x16xi32>,
    %get3A_333 = vector.shape_cast %get3A_332 : vector<1x1x16xi32> to vector<16xi32>
    %get3A_334 = arith.constant 2 : i32
    %get3A_335 = arith.constant 1 : i32
    %get3A_336 = arith.index_cast %get3A_334 : i32 to index
    %get3A_337 = arith.index_cast %get3A_335 : i32 to index
    %get3A_338 = arith.constant 16 : index
    %get3A_339 = tpu.vector_load %arg5[%get3A_336, %get3A_337, %get3A_338] {strides = array<i32>} : memref<3x4x128xi32, #tpu.memory_space<vmem>>, vector<1x1x16xi32>,
    %get3A_340 = vector.shape_cast %get3A_339 : vector<1x1x16xi32> to vector<16xi32>
    %mul3A_341 = arith.constant 147 : i32
    %mul3A_342 = vector.broadcast %mul3A_341 : i32 to vector<16xi32>
    %mul3A_343 = arith.muli %get3A_326, %mul3A_342 : vector<16xi32>
    %mul3A_344 = arith.constant 21 : i32
    %mul3A_345 = vector.broadcast %mul3A_344 : i32 to vector<16xi32>
    %mul3A_346 = arith.muli %get3A_333, %mul3A_345 : vector<16xi32>
    %add3A_347 = arith.addi %mul3A_343, %mul3A_346 : vector<16xi32>
    %add3A_348 = arith.addi %add3A_347, %get3A_340 : vector<16xi32>
    %swap3A_349 = arith.constant 1 : i32
    %swap3A_350 = arith.index_cast %swap3A_349 : i32 to index
    %swap3A_351 = arith.constant 16 : index
    %swap3A_352 = tpu.vector_load %arg6[%swap3A_350, %swap3A_351] {strides = array<i32>} : memref<4x128xi32, #tpu.memory_space<vmem>>, vector<1x16xi32>,
    %swap3A_353 = vector.shape_cast %swap3A_352 : vector<1x16xi32> to vector<16xi32>
    %swap3A_354 = vector.shape_cast %add3A_348 : vector<16xi32> to vector<1x16xi32>
    tpu.vector_store %arg6[%swap3A_350, %swap3A_351], %swap3A_354 {strides = array<i32>} : memref<4x128xi32, #tpu.memory_space<vmem>>, vector<1x16xi32>,
    %get3A_355 = arith.constant 0 : i32
    %get3A_356 = arith.constant 1 : i32
    %get3A_357 = arith.index_cast %get3A_355 : i32 to index
    %get3A_358 = arith.index_cast %get3A_356 : i32 to index
    %get3A_359 = arith.constant 32 : index
    %get3A_360 = tpu.vector_load %arg5[%get3A_357, %get3A_358, %get3A_359] {strides = array<i32>} : memref<3x4x128xi32, #tpu.memory_space<vmem>>, vector<1x1x16xi32>,
    %get3A_361 = vector.shape_cast %get3A_360 : vector<1x1x16xi32> to vector<16xi32>
    %get3A_362 = arith.constant 1 : i32
    %get3A_363 = arith.constant 1 : i32
    %get3A_364 = arith.index_cast %get3A_362 : i32 to index
    %get3A_365 = arith.index_cast %get3A_363 : i32 to index
    %get3A_366 = arith.constant 32 : index
    %get3A_367 = tpu.vector_load %arg5[%get3A_364, %get3A_365, %get3A_366] {strides = array<i32>} : memref<3x4x128xi32, #tpu.memory_space<vmem>>, vector<1x1x16xi32>,
    %get3A_368 = vector.shape_cast %get3A_367 : vector<1x1x16xi32> to vector<16xi32>
    %get3A_369 = arith.constant 2 : i32
    %get3A_370 = arith.constant 1 : i32
    %get3A_371 = arith.index_cast %get3A_369 : i32 to index
    %get3A_372 = arith.index_cast %get3A_370 : i32 to index
    %get3A_373 = arith.constant 32 : index
    %get3A_374 = tpu.vector_load %arg5[%get3A_371, %get3A_372, %get3A_373] {strides = array<i32>} : memref<3x4x128xi32, #tpu.memory_space<vmem>>, vector<1x1x16xi32>,
    %get3A_375 = vector.shape_cast %get3A_374 : vector<1x1x16xi32> to vector<16xi32>
    %mul3A_376 = arith.constant 147 : i32
    %mul3A_377 = vector.broadcast %mul3A_376 : i32 to vector<16xi32>
    %mul3A_378 = arith.muli %get3A_361, %mul3A_377 : vector<16xi32>
    %mul3A_379 = arith.constant 21 : i32
    %mul3A_380 = vector.broadcast %mul3A_379 : i32 to vector<16xi32>
    %mul3A_381 = arith.muli %get3A_368, %mul3A_380 : vector<16xi32>
    %add3A_382 = arith.addi %mul3A_378, %mul3A_381 : vector<16xi32>
    %add3A_383 = arith.addi %add3A_382, %get3A_375 : vector<16xi32>
    %swap3A_384 = arith.constant 1 : i32
    %swap3A_385 = arith.index_cast %swap3A_384 : i32 to index
    %swap3A_386 = arith.constant 32 : index
    %swap3A_387 = tpu.vector_load %arg6[%swap3A_385, %swap3A_386] {strides = array<i32>} : memref<4x128xi32, #tpu.memory_space<vmem>>, vector<1x16xi32>,
    %swap3A_388 = vector.shape_cast %swap3A_387 : vector<1x16xi32> to vector<16xi32>
    %swap3A_389 = vector.shape_cast %add3A_383 : vector<16xi32> to vector<1x16xi32>
    tpu.vector_store %arg6[%swap3A_385, %swap3A_386], %swap3A_389 {strides = array<i32>} : memref<4x128xi32, #tpu.memory_space<vmem>>, vector<1x16xi32>,
    %get3A_390 = arith.constant 0 : i32
    %get3A_391 = arith.constant 1 : i32
    %get3A_392 = arith.index_cast %get3A_390 : i32 to index
    %get3A_393 = arith.index_cast %get3A_391 : i32 to index
    %get3A_394 = arith.constant 48 : index
    %get3A_395 = tpu.vector_load %arg5[%get3A_392, %get3A_393, %get3A_394] {strides = array<i32>} : memref<3x4x128xi32, #tpu.memory_space<vmem>>, vector<1x1x16xi32>,
    %get3A_396 = vector.shape_cast %get3A_395 : vector<1x1x16xi32> to vector<16xi32>
    %get3A_397 = arith.constant 1 : i32
    %get3A_398 = arith.constant 1 : i32
    %get3A_399 = arith.index_cast %get3A_397 : i32 to index
    %get3A_400 = arith.index_cast %get3A_398 : i32 to index
    %get3A_401 = arith.constant 48 : index
    %get3A_402 = tpu.vector_load %arg5[%get3A_399, %get3A_400, %get3A_401] {strides = array<i32>} : memref<3x4x128xi32, #tpu.memory_space<vmem>>, vector<1x1x16xi32>,
    %get3A_403 = vector.shape_cast %get3A_402 : vector<1x1x16xi32> to vector<16xi32>
    %get3A_404 = arith.constant 2 : i32
    %get3A_405 = arith.constant 1 : i32
    %get3A_406 = arith.index_cast %get3A_404 : i32 to index
    %get3A_407 = arith.index_cast %get3A_405 : i32 to index
    %get3A_408 = arith.constant 48 : index
    %get3A_409 = tpu.vector_load %arg5[%get3A_406, %get3A_407, %get3A_408] {strides = array<i32>} : memref<3x4x128xi32, #tpu.memory_space<vmem>>, vector<1x1x16xi32>,
    %get3A_410 = vector.shape_cast %get3A_409 : vector<1x1x16xi32> to vector<16xi32>
    %mul3A_411 = arith.constant 147 : i32
    %mul3A_412 = vector.broadcast %mul3A_411 : i32 to vector<16xi32>
    %mul3A_413 = arith.muli %get3A_396, %mul3A_412 : vector<16xi32>
    %mul3A_414 = arith.constant 21 : i32
    %mul3A_415 = vector.broadcast %mul3A_414 : i32 to vector<16xi32>
    %mul3A_416 = arith.muli %get3A_403, %mul3A_415 : vector<16xi32>
    %add3A_417 = arith.addi %mul3A_413, %mul3A_416 : vector<16xi32>
    %add3A_418 = arith.addi %add3A_417, %get3A_410 : vector<16xi32>
    %swap3A_419 = arith.constant 1 : i32
    %swap3A_420 = arith.index_cast %swap3A_419 : i32 to index
    %swap3A_421 = arith.constant 48 : index
    %swap3A_422 = tpu.vector_load %arg6[%swap3A_420, %swap3A_421] {strides = array<i32>} : memref<4x128xi32, #tpu.memory_space<vmem>>, vector<1x16xi32>,
    %swap3A_423 = vector.shape_cast %swap3A_422 : vector<1x16xi32> to vector<16xi32>
    %swap3A_424 = vector.shape_cast %add3A_418 : vector<16xi32> to vector<1x16xi32>
    tpu.vector_store %arg6[%swap3A_420, %swap3A_421], %swap3A_424 {strides = array<i32>} : memref<4x128xi32, #tpu.memory_space<vmem>>, vector<1x16xi32>,
    %get3A_425 = arith.constant 0 : i32
    %get3A_426 = arith.constant 1 : i32
    %get3A_427 = arith.index_cast %get3A_425 : i32 to index
    %get3A_428 = arith.index_cast %get3A_426 : i32 to index
    %get3A_429 = arith.constant 64 : index
    %get3A_430 = tpu.vector_load %arg5[%get3A_427, %get3A_428, %get3A_429] {strides = array<i32>} : memref<3x4x128xi32, #tpu.memory_space<vmem>>, vector<1x1x16xi32>,
    %get3A_431 = vector.shape_cast %get3A_430 : vector<1x1x16xi32> to vector<16xi32>
    %get3A_432 = arith.constant 1 : i32
    %get3A_433 = arith.constant 1 : i32
    %get3A_434 = arith.index_cast %get3A_432 : i32 to index
    %get3A_435 = arith.index_cast %get3A_433 : i32 to index
    %get3A_436 = arith.constant 64 : index
    %get3A_437 = tpu.vector_load %arg5[%get3A_434, %get3A_435, %get3A_436] {strides = array<i32>} : memref<3x4x128xi32, #tpu.memory_space<vmem>>, vector<1x1x16xi32>,
    %get3A_438 = vector.shape_cast %get3A_437 : vector<1x1x16xi32> to vector<16xi32>
    %get3A_439 = arith.constant 2 : i32
    %get3A_440 = arith.constant 1 : i32
    %get3A_441 = arith.index_cast %get3A_439 : i32 to index
    %get3A_442 = arith.index_cast %get3A_440 : i32 to index
    %get3A_443 = arith.constant 64 : index
    %get3A_444 = tpu.vector_load %arg5[%get3A_441, %get3A_442, %get3A_443] {strides = array<i32>} : memref<3x4x128xi32, #tpu.memory_space<vmem>>, vector<1x1x16xi32>,
    %get3A_445 = vector.shape_cast %get3A_444 : vector<1x1x16xi32> to vector<16xi32>
    %mul3A_446 = arith.constant 147 : i32
    %mul3A_447 = vector.broadcast %mul3A_446 : i32 to vector<16xi32>
    %mul3A_448 = arith.muli %get3A_431, %mul3A_447 : vector<16xi32>
    %mul3A_449 = arith.constant 21 : i32
    %mul3A_450 = vector.broadcast %mul3A_449 : i32 to vector<16xi32>
    %mul3A_451 = arith.muli %get3A_438, %mul3A_450 : vector<16xi32>
    %add3A_452 = arith.addi %mul3A_448, %mul3A_451 : vector<16xi32>
    %add3A_453 = arith.addi %add3A_452, %get3A_445 : vector<16xi32>
    %swap3A_454 = arith.constant 1 : i32
    %swap3A_455 = arith.index_cast %swap3A_454 : i32 to index
    %swap3A_456 = arith.constant 64 : index
    %swap3A_457 = tpu.vector_load %arg6[%swap3A_455, %swap3A_456] {strides = array<i32>} : memref<4x128xi32, #tpu.memory_space<vmem>>, vector<1x16xi32>,
    %swap3A_458 = vector.shape_cast %swap3A_457 : vector<1x16xi32> to vector<16xi32>
    %swap3A_459 = vector.shape_cast %add3A_453 : vector<16xi32> to vector<1x16xi32>
    tpu.vector_store %arg6[%swap3A_455, %swap3A_456], %swap3A_459 {strides = array<i32>} : memref<4x128xi32, #tpu.memory_space<vmem>>, vector<1x16xi32>,
    %get3A_460 = arith.constant 0 : i32
    %get3A_461 = arith.constant 1 : i32
    %get3A_462 = arith.index_cast %get3A_460 : i32 to index
    %get3A_463 = arith.index_cast %get3A_461 : i32 to index
    %get3A_464 = arith.constant 80 : index
    %get3A_465 = tpu.vector_load %arg5[%get3A_462, %get3A_463, %get3A_464] {strides = array<i32>} : memref<3x4x128xi32, #tpu.memory_space<vmem>>, vector<1x1x16xi32>,
    %get3A_466 = vector.shape_cast %get3A_465 : vector<1x1x16xi32> to vector<16xi32>
    %get3A_467 = arith.constant 1 : i32
    %get3A_468 = arith.constant 1 : i32
    %get3A_469 = arith.index_cast %get3A_467 : i32 to index
    %get3A_470 = arith.index_cast %get3A_468 : i32 to index
    %get3A_471 = arith.constant 80 : index
    %get3A_472 = tpu.vector_load %arg5[%get3A_469, %get3A_470, %get3A_471] {strides = array<i32>} : memref<3x4x128xi32, #tpu.memory_space<vmem>>, vector<1x1x16xi32>,
    %get3A_473 = vector.shape_cast %get3A_472 : vector<1x1x16xi32> to vector<16xi32>
    %get3A_474 = arith.constant 2 : i32
    %get3A_475 = arith.constant 1 : i32
    %get3A_476 = arith.index_cast %get3A_474 : i32 to index
    %get3A_477 = arith.index_cast %get3A_475 : i32 to index
    %get3A_478 = arith.constant 80 : index
    %get3A_479 = tpu.vector_load %arg5[%get3A_476, %get3A_477, %get3A_478] {strides = array<i32>} : memref<3x4x128xi32, #tpu.memory_space<vmem>>, vector<1x1x16xi32>,
    %get3A_480 = vector.shape_cast %get3A_479 : vector<1x1x16xi32> to vector<16xi32>
    %mul3A_481 = arith.constant 147 : i32
    %mul3A_482 = vector.broadcast %mul3A_481 : i32 to vector<16xi32>
    %mul3A_483 = arith.muli %get3A_466, %mul3A_482 : vector<16xi32>
    %mul3A_484 = arith.constant 21 : i32
    %mul3A_485 = vector.broadcast %mul3A_484 : i32 to vector<16xi32>
    %mul3A_486 = arith.muli %get3A_473, %mul3A_485 : vector<16xi32>
    %add3A_487 = arith.addi %mul3A_483, %mul3A_486 : vector<16xi32>
    %add3A_488 = arith.addi %add3A_487, %get3A_480 : vector<16xi32>
    %swap3A_489 = arith.constant 1 : i32
    %swap3A_490 = arith.index_cast %swap3A_489 : i32 to index
    %swap3A_491 = arith.constant 80 : index
    %swap3A_492 = tpu.vector_load %arg6[%swap3A_490, %swap3A_491] {strides = array<i32>} : memref<4x128xi32, #tpu.memory_space<vmem>>, vector<1x16xi32>,
    %swap3A_493 = vector.shape_cast %swap3A_492 : vector<1x16xi32> to vector<16xi32>
    %swap3A_494 = vector.shape_cast %add3A_488 : vector<16xi32> to vector<1x16xi32>
    tpu.vector_store %arg6[%swap3A_490, %swap3A_491], %swap3A_494 {strides = array<i32>} : memref<4x128xi32, #tpu.memory_space<vmem>>, vector<1x16xi32>,
    %get3A_495 = arith.constant 0 : i32
    %get3A_496 = arith.constant 1 : i32
    %get3A_497 = arith.index_cast %get3A_495 : i32 to index
    %get3A_498 = arith.index_cast %get3A_496 : i32 to index
    %get3A_499 = arith.constant 96 : index
    %get3A_500 = tpu.vector_load %arg5[%get3A_497, %get3A_498, %get3A_499] {strides = array<i32>} : memref<3x4x128xi32, #tpu.memory_space<vmem>>, vector<1x1x16xi32>,
    %get3A_501 = vector.shape_cast %get3A_500 : vector<1x1x16xi32> to vector<16xi32>
    %get3A_502 = arith.constant 1 : i32
    %get3A_503 = arith.constant 1 : i32
    %get3A_504 = arith.index_cast %get3A_502 : i32 to index
    %get3A_505 = arith.index_cast %get3A_503 : i32 to index
    %get3A_506 = arith.constant 96 : index
    %get3A_507 = tpu.vector_load %arg5[%get3A_504, %get3A_505, %get3A_506] {strides = array<i32>} : memref<3x4x128xi32, #tpu.memory_space<vmem>>, vector<1x1x16xi32>,
    %get3A_508 = vector.shape_cast %get3A_507 : vector<1x1x16xi32> to vector<16xi32>
    %get3A_509 = arith.constant 2 : i32
    %get3A_510 = arith.constant 1 : i32
    %get3A_511 = arith.index_cast %get3A_509 : i32 to index
    %get3A_512 = arith.index_cast %get3A_510 : i32 to index
    %get3A_513 = arith.constant 96 : index
    %get3A_514 = tpu.vector_load %arg5[%get3A_511, %get3A_512, %get3A_513] {strides = array<i32>} : memref<3x4x128xi32, #tpu.memory_space<vmem>>, vector<1x1x16xi32>,
    %get3A_515 = vector.shape_cast %get3A_514 : vector<1x1x16xi32> to vector<16xi32>
    %mul3A_516 = arith.constant 147 : i32
    %mul3A_517 = vector.broadcast %mul3A_516 : i32 to vector<16xi32>
    %mul3A_518 = arith.muli %get3A_501, %mul3A_517 : vector<16xi32>
    %mul3A_519 = arith.constant 21 : i32
    %mul3A_520 = vector.broadcast %mul3A_519 : i32 to vector<16xi32>
    %mul3A_521 = arith.muli %get3A_508, %mul3A_520 : vector<16xi32>
    %add3A_522 = arith.addi %mul3A_518, %mul3A_521 : vector<16xi32>
    %add3A_523 = arith.addi %add3A_522, %get3A_515 : vector<16xi32>
    %swap3A_524 = arith.constant 1 : i32
    %swap3A_525 = arith.index_cast %swap3A_524 : i32 to index
    %swap3A_526 = arith.constant 96 : index
    %swap3A_527 = tpu.vector_load %arg6[%swap3A_525, %swap3A_526] {strides = array<i32>} : memref<4x128xi32, #tpu.memory_space<vmem>>, vector<1x16xi32>,
    %swap3A_528 = vector.shape_cast %swap3A_527 : vector<1x16xi32> to vector<16xi32>
    %swap3A_529 = vector.shape_cast %add3A_523 : vector<16xi32> to vector<1x16xi32>
    tpu.vector_store %arg6[%swap3A_525, %swap3A_526], %swap3A_529 {strides = array<i32>} : memref<4x128xi32, #tpu.memory_space<vmem>>, vector<1x16xi32>,
    %get3A_530 = arith.constant 0 : i32
    %get3A_531 = arith.constant 1 : i32
    %get3A_532 = arith.index_cast %get3A_530 : i32 to index
    %get3A_533 = arith.index_cast %get3A_531 : i32 to index
    %get3A_534 = arith.constant 112 : index
    %get3A_535 = tpu.vector_load %arg5[%get3A_532, %get3A_533, %get3A_534] {strides = array<i32>} : memref<3x4x128xi32, #tpu.memory_space<vmem>>, vector<1x1x16xi32>,
    %get3A_536 = vector.shape_cast %get3A_535 : vector<1x1x16xi32> to vector<16xi32>
    %get3A_537 = arith.constant 1 : i32
    %get3A_538 = arith.constant 1 : i32
    %get3A_539 = arith.index_cast %get3A_537 : i32 to index
    %get3A_540 = arith.index_cast %get3A_538 : i32 to index
    %get3A_541 = arith.constant 112 : index
    %get3A_542 = tpu.vector_load %arg5[%get3A_539, %get3A_540, %get3A_541] {strides = array<i32>} : memref<3x4x128xi32, #tpu.memory_space<vmem>>, vector<1x1x16xi32>,
    %get3A_543 = vector.shape_cast %get3A_542 : vector<1x1x16xi32> to vector<16xi32>
    %get3A_544 = arith.constant 2 : i32
    %get3A_545 = arith.constant 1 : i32
    %get3A_546 = arith.index_cast %get3A_544 : i32 to index
    %get3A_547 = arith.index_cast %get3A_545 : i32 to index
    %get3A_548 = arith.constant 112 : index
    %get3A_549 = tpu.vector_load %arg5[%get3A_546, %get3A_547, %get3A_548] {strides = array<i32>} : memref<3x4x128xi32, #tpu.memory_space<vmem>>, vector<1x1x16xi32>,
    %get3A_550 = vector.shape_cast %get3A_549 : vector<1x1x16xi32> to vector<16xi32>
    %mul3A_551 = arith.constant 147 : i32
    %mul3A_552 = vector.broadcast %mul3A_551 : i32 to vector<16xi32>
    %mul3A_553 = arith.muli %get3A_536, %mul3A_552 : vector<16xi32>
    %mul3A_554 = arith.constant 21 : i32
    %mul3A_555 = vector.broadcast %mul3A_554 : i32 to vector<16xi32>
    %mul3A_556 = arith.muli %get3A_543, %mul3A_555 : vector<16xi32>
    %add3A_557 = arith.addi %mul3A_553, %mul3A_556 : vector<16xi32>
    %add3A_558 = arith.addi %add3A_557, %get3A_550 : vector<16xi32>
    %swap3A_559 = arith.constant 1 : i32
    %swap3A_560 = arith.index_cast %swap3A_559 : i32 to index
    %swap3A_561 = arith.constant 112 : index
    %swap3A_562 = tpu.vector_load %arg6[%swap3A_560, %swap3A_561] {strides = array<i32>} : memref<4x128xi32, #tpu.memory_space<vmem>>, vector<1x16xi32>,
    %swap3A_563 = vector.shape_cast %swap3A_562 : vector<1x16xi32> to vector<16xi32>
    %swap3A_564 = vector.shape_cast %add3A_558 : vector<16xi32> to vector<1x16xi32>
    tpu.vector_store %arg6[%swap3A_560, %swap3A_561], %swap3A_564 {strides = array<i32>} : memref<4x128xi32, #tpu.memory_space<vmem>>, vector<1x16xi32>,
    %get3A_565 = arith.constant 0 : i32
    %get3A_566 = arith.constant 2 : i32
    %get3A_567 = arith.index_cast %get3A_565 : i32 to index
    %get3A_568 = arith.index_cast %get3A_566 : i32 to index
    %get3A_569 = arith.constant 0 : index
    %get3A_570 = tpu.vector_load %arg5[%get3A_567, %get3A_568, %get3A_569] {strides = array<i32>} : memref<3x4x128xi32, #tpu.memory_space<vmem>>, vector<1x1x16xi32>,
    %get3A_571 = vector.shape_cast %get3A_570 : vector<1x1x16xi32> to vector<16xi32>
    %get3A_572 = arith.constant 1 : i32
    %get3A_573 = arith.constant 2 : i32
    %get3A_574 = arith.index_cast %get3A_572 : i32 to index
    %get3A_575 = arith.index_cast %get3A_573 : i32 to index
    %get3A_576 = arith.constant 0 : index
    %get3A_577 = tpu.vector_load %arg5[%get3A_574, %get3A_575, %get3A_576] {strides = array<i32>} : memref<3x4x128xi32, #tpu.memory_space<vmem>>, vector<1x1x16xi32>,
    %get3A_578 = vector.shape_cast %get3A_577 : vector<1x1x16xi32> to vector<16xi32>
    %get3A_579 = arith.constant 2 : i32
    %get3A_580 = arith.constant 2 : i32
    %get3A_581 = arith.index_cast %get3A_579 : i32 to index
    %get3A_582 = arith.index_cast %get3A_580 : i32 to index
    %get3A_583 = arith.constant 0 : index
    %get3A_584 = tpu.vector_load %arg5[%get3A_581, %get3A_582, %get3A_583] {strides = array<i32>} : memref<3x4x128xi32, #tpu.memory_space<vmem>>, vector<1x1x16xi32>,
    %get3A_585 = vector.shape_cast %get3A_584 : vector<1x1x16xi32> to vector<16xi32>
    %mul3A_586 = arith.constant 147 : i32
    %mul3A_587 = vector.broadcast %mul3A_586 : i32 to vector<16xi32>
    %mul3A_588 = arith.muli %get3A_571, %mul3A_587 : vector<16xi32>
    %mul3A_589 = arith.constant 21 : i32
    %mul3A_590 = vector.broadcast %mul3A_589 : i32 to vector<16xi32>
    %mul3A_591 = arith.muli %get3A_578, %mul3A_590 : vector<16xi32>
    %add3A_592 = arith.addi %mul3A_588, %mul3A_591 : vector<16xi32>
    %add3A_593 = arith.addi %add3A_592, %get3A_585 : vector<16xi32>
    %swap3A_594 = arith.constant 2 : i32
    %swap3A_595 = arith.index_cast %swap3A_594 : i32 to index
    %swap3A_596 = arith.constant 0 : index
    %swap3A_597 = tpu.vector_load %arg6[%swap3A_595, %swap3A_596] {strides = array<i32>} : memref<4x128xi32, #tpu.memory_space<vmem>>, vector<1x16xi32>,
    %swap3A_598 = vector.shape_cast %swap3A_597 : vector<1x16xi32> to vector<16xi32>
    %swap3A_599 = vector.shape_cast %add3A_593 : vector<16xi32> to vector<1x16xi32>
    tpu.vector_store %arg6[%swap3A_595, %swap3A_596], %swap3A_599 {strides = array<i32>} : memref<4x128xi32, #tpu.memory_space<vmem>>, vector<1x16xi32>,
    %get3A_600 = arith.constant 0 : i32
    %get3A_601 = arith.constant 2 : i32
    %get3A_602 = arith.index_cast %get3A_600 : i32 to index
    %get3A_603 = arith.index_cast %get3A_601 : i32 to index
    %get3A_604 = arith.constant 16 : index
    %get3A_605 = tpu.vector_load %arg5[%get3A_602, %get3A_603, %get3A_604] {strides = array<i32>} : memref<3x4x128xi32, #tpu.memory_space<vmem>>, vector<1x1x16xi32>,
    %get3A_606 = vector.shape_cast %get3A_605 : vector<1x1x16xi32> to vector<16xi32>
    %get3A_607 = arith.constant 1 : i32
    %get3A_608 = arith.constant 2 : i32
    %get3A_609 = arith.index_cast %get3A_607 : i32 to index
    %get3A_610 = arith.index_cast %get3A_608 : i32 to index
    %get3A_611 = arith.constant 16 : index
    %get3A_612 = tpu.vector_load %arg5[%get3A_609, %get3A_610, %get3A_611] {strides = array<i32>} : memref<3x4x128xi32, #tpu.memory_space<vmem>>, vector<1x1x16xi32>,
    %get3A_613 = vector.shape_cast %get3A_612 : vector<1x1x16xi32> to vector<16xi32>
    %get3A_614 = arith.constant 2 : i32
    %get3A_615 = arith.constant 2 : i32
    %get3A_616 = arith.index_cast %get3A_614 : i32 to index
    %get3A_617 = arith.index_cast %get3A_615 : i32 to index
    %get3A_618 = arith.constant 16 : index
    %get3A_619 = tpu.vector_load %arg5[%get3A_616, %get3A_617, %get3A_618] {strides = array<i32>} : memref<3x4x128xi32, #tpu.memory_space<vmem>>, vector<1x1x16xi32>,
    %get3A_620 = vector.shape_cast %get3A_619 : vector<1x1x16xi32> to vector<16xi32>
    %mul3A_621 = arith.constant 147 : i32
    %mul3A_622 = vector.broadcast %mul3A_621 : i32 to vector<16xi32>
    %mul3A_623 = arith.muli %get3A_606, %mul3A_622 : vector<16xi32>
    %mul3A_624 = arith.constant 21 : i32
    %mul3A_625 = vector.broadcast %mul3A_624 : i32 to vector<16xi32>
    %mul3A_626 = arith.muli %get3A_613, %mul3A_625 : vector<16xi32>
    %add3A_627 = arith.addi %mul3A_623, %mul3A_626 : vector<16xi32>
    %add3A_628 = arith.addi %add3A_627, %get3A_620 : vector<16xi32>
    %swap3A_629 = arith.constant 2 : i32
    %swap3A_630 = arith.index_cast %swap3A_629 : i32 to index
    %swap3A_631 = arith.constant 16 : index
    %swap3A_632 = tpu.vector_load %arg6[%swap3A_630, %swap3A_631] {strides = array<i32>} : memref<4x128xi32, #tpu.memory_space<vmem>>, vector<1x16xi32>,
    %swap3A_633 = vector.shape_cast %swap3A_632 : vector<1x16xi32> to vector<16xi32>
    %swap3A_634 = vector.shape_cast %add3A_628 : vector<16xi32> to vector<1x16xi32>
    tpu.vector_store %arg6[%swap3A_630, %swap3A_631], %swap3A_634 {strides = array<i32>} : memref<4x128xi32, #tpu.memory_space<vmem>>, vector<1x16xi32>,
    %get3A_635 = arith.constant 0 : i32
    %get3A_636 = arith.constant 2 : i32
    %get3A_637 = arith.index_cast %get3A_635 : i32 to index
    %get3A_638 = arith.index_cast %get3A_636 : i32 to index
    %get3A_639 = arith.constant 32 : index
    %get3A_640 = tpu.vector_load %arg5[%get3A_637, %get3A_638, %get3A_639] {strides = array<i32>} : memref<3x4x128xi32, #tpu.memory_space<vmem>>, vector<1x1x16xi32>,
    %get3A_641 = vector.shape_cast %get3A_640 : vector<1x1x16xi32> to vector<16xi32>
    %get3A_642 = arith.constant 1 : i32
    %get3A_643 = arith.constant 2 : i32
    %get3A_644 = arith.index_cast %get3A_642 : i32 to index
    %get3A_645 = arith.index_cast %get3A_643 : i32 to index
    %get3A_646 = arith.constant 32 : index
    %get3A_647 = tpu.vector_load %arg5[%get3A_644, %get3A_645, %get3A_646] {strides = array<i32>} : memref<3x4x128xi32, #tpu.memory_space<vmem>>, vector<1x1x16xi32>,
    %get3A_648 = vector.shape_cast %get3A_647 : vector<1x1x16xi32> to vector<16xi32>
    %get3A_649 = arith.constant 2 : i32
    %get3A_650 = arith.constant 2 : i32
    %get3A_651 = arith.index_cast %get3A_649 : i32 to index
    %get3A_652 = arith.index_cast %get3A_650 : i32 to index
    %get3A_653 = arith.constant 32 : index
    %get3A_654 = tpu.vector_load %arg5[%get3A_651, %get3A_652, %get3A_653] {strides = array<i32>} : memref<3x4x128xi32, #tpu.memory_space<vmem>>, vector<1x1x16xi32>,
    %get3A_655 = vector.shape_cast %get3A_654 : vector<1x1x16xi32> to vector<16xi32>
    %mul3A_656 = arith.constant 147 : i32
    %mul3A_657 = vector.broadcast %mul3A_656 : i32 to vector<16xi32>
    %mul3A_658 = arith.muli %get3A_641, %mul3A_657 : vector<16xi32>
    %mul3A_659 = arith.constant 21 : i32
    %mul3A_660 = vector.broadcast %mul3A_659 : i32 to vector<16xi32>
    %mul3A_661 = arith.muli %get3A_648, %mul3A_660 : vector<16xi32>
    %add3A_662 = arith.addi %mul3A_658, %mul3A_661 : vector<16xi32>
    %add3A_663 = arith.addi %add3A_662, %get3A_655 : vector<16xi32>
    %swap3A_664 = arith.constant 2 : i32
    %swap3A_665 = arith.index_cast %swap3A_664 : i32 to index
    %swap3A_666 = arith.constant 32 : index
    %swap3A_667 = tpu.vector_load %arg6[%swap3A_665, %swap3A_666] {strides = array<i32>} : memref<4x128xi32, #tpu.memory_space<vmem>>, vector<1x16xi32>,
    %swap3A_668 = vector.shape_cast %swap3A_667 : vector<1x16xi32> to vector<16xi32>
    %swap3A_669 = vector.shape_cast %add3A_663 : vector<16xi32> to vector<1x16xi32>
    tpu.vector_store %arg6[%swap3A_665, %swap3A_666], %swap3A_669 {strides = array<i32>} : memref<4x128xi32, #tpu.memory_space<vmem>>, vector<1x16xi32>,
    %get3A_670 = arith.constant 0 : i32
    %get3A_671 = arith.constant 2 : i32
    %get3A_672 = arith.index_cast %get3A_670 : i32 to index
    %get3A_673 = arith.index_cast %get3A_671 : i32 to index
    %get3A_674 = arith.constant 48 : index
    %get3A_675 = tpu.vector_load %arg5[%get3A_672, %get3A_673, %get3A_674] {strides = array<i32>} : memref<3x4x128xi32, #tpu.memory_space<vmem>>, vector<1x1x16xi32>,
    %get3A_676 = vector.shape_cast %get3A_675 : vector<1x1x16xi32> to vector<16xi32>
    %get3A_677 = arith.constant 1 : i32
    %get3A_678 = arith.constant 2 : i32
    %get3A_679 = arith.index_cast %get3A_677 : i32 to index
    %get3A_680 = arith.index_cast %get3A_678 : i32 to index
    %get3A_681 = arith.constant 48 : index
    %get3A_682 = tpu.vector_load %arg5[%get3A_679, %get3A_680, %get3A_681] {strides = array<i32>} : memref<3x4x128xi32, #tpu.memory_space<vmem>>, vector<1x1x16xi32>,
    %get3A_683 = vector.shape_cast %get3A_682 : vector<1x1x16xi32> to vector<16xi32>
    %get3A_684 = arith.constant 2 : i32
    %get3A_685 = arith.constant 2 : i32
    %get3A_686 = arith.index_cast %get3A_684 : i32 to index
    %get3A_687 = arith.index_cast %get3A_685 : i32 to index
    %get3A_688 = arith.constant 48 : index
    %get3A_689 = tpu.vector_load %arg5[%get3A_686, %get3A_687, %get3A_688] {strides = array<i32>} : memref<3x4x128xi32, #tpu.memory_space<vmem>>, vector<1x1x16xi32>,
    %get3A_690 = vector.shape_cast %get3A_689 : vector<1x1x16xi32> to vector<16xi32>
    %mul3A_691 = arith.constant 147 : i32
    %mul3A_692 = vector.broadcast %mul3A_691 : i32 to vector<16xi32>
    %mul3A_693 = arith.muli %get3A_676, %mul3A_692 : vector<16xi32>
    %mul3A_694 = arith.constant 21 : i32
    %mul3A_695 = vector.broadcast %mul3A_694 : i32 to vector<16xi32>
    %mul3A_696 = arith.muli %get3A_683, %mul3A_695 : vector<16xi32>
    %add3A_697 = arith.addi %mul3A_693, %mul3A_696 : vector<16xi32>
    %add3A_698 = arith.addi %add3A_697, %get3A_690 : vector<16xi32>
    %swap3A_699 = arith.constant 2 : i32
    %swap3A_700 = arith.index_cast %swap3A_699 : i32 to index
    %swap3A_701 = arith.constant 48 : index
    %swap3A_702 = tpu.vector_load %arg6[%swap3A_700, %swap3A_701] {strides = array<i32>} : memref<4x128xi32, #tpu.memory_space<vmem>>, vector<1x16xi32>,
    %swap3A_703 = vector.shape_cast %swap3A_702 : vector<1x16xi32> to vector<16xi32>
    %swap3A_704 = vector.shape_cast %add3A_698 : vector<16xi32> to vector<1x16xi32>
    tpu.vector_store %arg6[%swap3A_700, %swap3A_701], %swap3A_704 {strides = array<i32>} : memref<4x128xi32, #tpu.memory_space<vmem>>, vector<1x16xi32>,
    %get3A_705 = arith.constant 0 : i32
    %get3A_706 = arith.constant 2 : i32
    %get3A_707 = arith.index_cast %get3A_705 : i32 to index
    %get3A_708 = arith.index_cast %get3A_706 : i32 to index
    %get3A_709 = arith.constant 64 : index
    %get3A_710 = tpu.vector_load %arg5[%get3A_707, %get3A_708, %get3A_709] {strides = array<i32>} : memref<3x4x128xi32, #tpu.memory_space<vmem>>, vector<1x1x16xi32>,
    %get3A_711 = vector.shape_cast %get3A_710 : vector<1x1x16xi32> to vector<16xi32>
    %get3A_712 = arith.constant 1 : i32
    %get3A_713 = arith.constant 2 : i32
    %get3A_714 = arith.index_cast %get3A_712 : i32 to index
    %get3A_715 = arith.index_cast %get3A_713 : i32 to index
    %get3A_716 = arith.constant 64 : index
    %get3A_717 = tpu.vector_load %arg5[%get3A_714, %get3A_715, %get3A_716] {strides = array<i32>} : memref<3x4x128xi32, #tpu.memory_space<vmem>>, vector<1x1x16xi32>,
    %get3A_718 = vector.shape_cast %get3A_717 : vector<1x1x16xi32> to vector<16xi32>
    %get3A_719 = arith.constant 2 : i32
    %get3A_720 = arith.constant 2 : i32
    %get3A_721 = arith.index_cast %get3A_719 : i32 to index
    %get3A_722 = arith.index_cast %get3A_720 : i32 to index
    %get3A_723 = arith.constant 64 : index
    %get3A_724 = tpu.vector_load %arg5[%get3A_721, %get3A_722, %get3A_723] {strides = array<i32>} : memref<3x4x128xi32, #tpu.memory_space<vmem>>, vector<1x1x16xi32>,
    %get3A_725 = vector.shape_cast %get3A_724 : vector<1x1x16xi32> to vector<16xi32>
    %mul3A_726 = arith.constant 147 : i32
    %mul3A_727 = vector.broadcast %mul3A_726 : i32 to vector<16xi32>
    %mul3A_728 = arith.muli %get3A_711, %mul3A_727 : vector<16xi32>
    %mul3A_729 = arith.constant 21 : i32
    %mul3A_730 = vector.broadcast %mul3A_729 : i32 to vector<16xi32>
    %mul3A_731 = arith.muli %get3A_718, %mul3A_730 : vector<16xi32>
    %add3A_732 = arith.addi %mul3A_728, %mul3A_731 : vector<16xi32>
    %add3A_733 = arith.addi %add3A_732, %get3A_725 : vector<16xi32>
    %swap3A_734 = arith.constant 2 : i32
    %swap3A_735 = arith.index_cast %swap3A_734 : i32 to index
    %swap3A_736 = arith.constant 64 : index
    %swap3A_737 = tpu.vector_load %arg6[%swap3A_735, %swap3A_736] {strides = array<i32>} : memref<4x128xi32, #tpu.memory_space<vmem>>, vector<1x16xi32>,
    %swap3A_738 = vector.shape_cast %swap3A_737 : vector<1x16xi32> to vector<16xi32>
    %swap3A_739 = vector.shape_cast %add3A_733 : vector<16xi32> to vector<1x16xi32>
    tpu.vector_store %arg6[%swap3A_735, %swap3A_736], %swap3A_739 {strides = array<i32>} : memref<4x128xi32, #tpu.memory_space<vmem>>, vector<1x16xi32>,
    %get3A_740 = arith.constant 0 : i32
    %get3A_741 = arith.constant 2 : i32
    %get3A_742 = arith.index_cast %get3A_740 : i32 to index
    %get3A_743 = arith.index_cast %get3A_741 : i32 to index
    %get3A_744 = arith.constant 80 : index
    %get3A_745 = tpu.vector_load %arg5[%get3A_742, %get3A_743, %get3A_744] {strides = array<i32>} : memref<3x4x128xi32, #tpu.memory_space<vmem>>, vector<1x1x16xi32>,
    %get3A_746 = vector.shape_cast %get3A_745 : vector<1x1x16xi32> to vector<16xi32>
    %get3A_747 = arith.constant 1 : i32
    %get3A_748 = arith.constant 2 : i32
    %get3A_749 = arith.index_cast %get3A_747 : i32 to index
    %get3A_750 = arith.index_cast %get3A_748 : i32 to index
    %get3A_751 = arith.constant 80 : index
    %get3A_752 = tpu.vector_load %arg5[%get3A_749, %get3A_750, %get3A_751] {strides = array<i32>} : memref<3x4x128xi32, #tpu.memory_space<vmem>>, vector<1x1x16xi32>,
    %get3A_753 = vector.shape_cast %get3A_752 : vector<1x1x16xi32> to vector<16xi32>
    %get3A_754 = arith.constant 2 : i32
    %get3A_755 = arith.constant 2 : i32
    %get3A_756 = arith.index_cast %get3A_754 : i32 to index
    %get3A_757 = arith.index_cast %get3A_755 : i32 to index
    %get3A_758 = arith.constant 80 : index
    %get3A_759 = tpu.vector_load %arg5[%get3A_756, %get3A_757, %get3A_758] {strides = array<i32>} : memref<3x4x128xi32, #tpu.memory_space<vmem>>, vector<1x1x16xi32>,
    %get3A_760 = vector.shape_cast %get3A_759 : vector<1x1x16xi32> to vector<16xi32>
    %mul3A_761 = arith.constant 147 : i32
    %mul3A_762 = vector.broadcast %mul3A_761 : i32 to vector<16xi32>
    %mul3A_763 = arith.muli %get3A_746, %mul3A_762 : vector<16xi32>
    %mul3A_764 = arith.constant 21 : i32
    %mul3A_765 = vector.broadcast %mul3A_764 : i32 to vector<16xi32>
    %mul3A_766 = arith.muli %get3A_753, %mul3A_765 : vector<16xi32>
    %add3A_767 = arith.addi %mul3A_763, %mul3A_766 : vector<16xi32>
    %add3A_768 = arith.addi %add3A_767, %get3A_760 : vector<16xi32>
    %swap3A_769 = arith.constant 2 : i32
    %swap3A_770 = arith.index_cast %swap3A_769 : i32 to index
    %swap3A_771 = arith.constant 80 : index
    %swap3A_772 = tpu.vector_load %arg6[%swap3A_770, %swap3A_771] {strides = array<i32>} : memref<4x128xi32, #tpu.memory_space<vmem>>, vector<1x16xi32>,
    %swap3A_773 = vector.shape_cast %swap3A_772 : vector<1x16xi32> to vector<16xi32>
    %swap3A_774 = vector.shape_cast %add3A_768 : vector<16xi32> to vector<1x16xi32>
    tpu.vector_store %arg6[%swap3A_770, %swap3A_771], %swap3A_774 {strides = array<i32>} : memref<4x128xi32, #tpu.memory_space<vmem>>, vector<1x16xi32>,
    %get3A_775 = arith.constant 0 : i32
    %get3A_776 = arith.constant 2 : i32
    %get3A_777 = arith.index_cast %get3A_775 : i32 to index
    %get3A_778 = arith.index_cast %get3A_776 : i32 to index
    %get3A_779 = arith.constant 96 : index
    %get3A_780 = tpu.vector_load %arg5[%get3A_777, %get3A_778, %get3A_779] {strides = array<i32>} : memref<3x4x128xi32, #tpu.memory_space<vmem>>, vector<1x1x16xi32>,
    %get3A_781 = vector.shape_cast %get3A_780 : vector<1x1x16xi32> to vector<16xi32>
    %get3A_782 = arith.constant 1 : i32
    %get3A_783 = arith.constant 2 : i32
    %get3A_784 = arith.index_cast %get3A_782 : i32 to index
    %get3A_785 = arith.index_cast %get3A_783 : i32 to index
    %get3A_786 = arith.constant 96 : index
    %get3A_787 = tpu.vector_load %arg5[%get3A_784, %get3A_785, %get3A_786] {strides = array<i32>} : memref<3x4x128xi32, #tpu.memory_space<vmem>>, vector<1x1x16xi32>,
    %get3A_788 = vector.shape_cast %get3A_787 : vector<1x1x16xi32> to vector<16xi32>
    %get3A_789 = arith.constant 2 : i32
    %get3A_790 = arith.constant 2 : i32
    %get3A_791 = arith.index_cast %get3A_789 : i32 to index
    %get3A_792 = arith.index_cast %get3A_790 : i32 to index
    %get3A_793 = arith.constant 96 : index
    %get3A_794 = tpu.vector_load %arg5[%get3A_791, %get3A_792, %get3A_793] {strides = array<i32>} : memref<3x4x128xi32, #tpu.memory_space<vmem>>, vector<1x1x16xi32>,
    %get3A_795 = vector.shape_cast %get3A_794 : vector<1x1x16xi32> to vector<16xi32>
    %mul3A_796 = arith.constant 147 : i32
    %mul3A_797 = vector.broadcast %mul3A_796 : i32 to vector<16xi32>
    %mul3A_798 = arith.muli %get3A_781, %mul3A_797 : vector<16xi32>
    %mul3A_799 = arith.constant 21 : i32
    %mul3A_800 = vector.broadcast %mul3A_799 : i32 to vector<16xi32>
    %mul3A_801 = arith.muli %get3A_788, %mul3A_800 : vector<16xi32>
    %add3A_802 = arith.addi %mul3A_798, %mul3A_801 : vector<16xi32>
    %add3A_803 = arith.addi %add3A_802, %get3A_795 : vector<16xi32>
    %swap3A_804 = arith.constant 2 : i32
    %swap3A_805 = arith.index_cast %swap3A_804 : i32 to index
    %swap3A_806 = arith.constant 96 : index
    %swap3A_807 = tpu.vector_load %arg6[%swap3A_805, %swap3A_806] {strides = array<i32>} : memref<4x128xi32, #tpu.memory_space<vmem>>, vector<1x16xi32>,
    %swap3A_808 = vector.shape_cast %swap3A_807 : vector<1x16xi32> to vector<16xi32>
    %swap3A_809 = vector.shape_cast %add3A_803 : vector<16xi32> to vector<1x16xi32>
    tpu.vector_store %arg6[%swap3A_805, %swap3A_806], %swap3A_809 {strides = array<i32>} : memref<4x128xi32, #tpu.memory_space<vmem>>, vector<1x16xi32>,
    %get3A_810 = arith.constant 0 : i32
    %get3A_811 = arith.constant 2 : i32
    %get3A_812 = arith.index_cast %get3A_810 : i32 to index
    %get3A_813 = arith.index_cast %get3A_811 : i32 to index
    %get3A_814 = arith.constant 112 : index
    %get3A_815 = tpu.vector_load %arg5[%get3A_812, %get3A_813, %get3A_814] {strides = array<i32>} : memref<3x4x128xi32, #tpu.memory_space<vmem>>, vector<1x1x16xi32>,
    %get3A_816 = vector.shape_cast %get3A_815 : vector<1x1x16xi32> to vector<16xi32>
    %get3A_817 = arith.constant 1 : i32
    %get3A_818 = arith.constant 2 : i32
    %get3A_819 = arith.index_cast %get3A_817 : i32 to index
    %get3A_820 = arith.index_cast %get3A_818 : i32 to index
    %get3A_821 = arith.constant 112 : index
    %get3A_822 = tpu.vector_load %arg5[%get3A_819, %get3A_820, %get3A_821] {strides = array<i32>} : memref<3x4x128xi32, #tpu.memory_space<vmem>>, vector<1x1x16xi32>,
    %get3A_823 = vector.shape_cast %get3A_822 : vector<1x1x16xi32> to vector<16xi32>
    %get3A_824 = arith.constant 2 : i32
    %get3A_825 = arith.constant 2 : i32
    %get3A_826 = arith.index_cast %get3A_824 : i32 to index
    %get3A_827 = arith.index_cast %get3A_825 : i32 to index
    %get3A_828 = arith.constant 112 : index
    %get3A_829 = tpu.vector_load %arg5[%get3A_826, %get3A_827, %get3A_828] {strides = array<i32>} : memref<3x4x128xi32, #tpu.memory_space<vmem>>, vector<1x1x16xi32>,
    %get3A_830 = vector.shape_cast %get3A_829 : vector<1x1x16xi32> to vector<16xi32>
    %mul3A_831 = arith.constant 147 : i32
    %mul3A_832 = vector.broadcast %mul3A_831 : i32 to vector<16xi32>
    %mul3A_833 = arith.muli %get3A_816, %mul3A_832 : vector<16xi32>
    %mul3A_834 = arith.constant 21 : i32
    %mul3A_835 = vector.broadcast %mul3A_834 : i32 to vector<16xi32>
    %mul3A_836 = arith.muli %get3A_823, %mul3A_835 : vector<16xi32>
    %add3A_837 = arith.addi %mul3A_833, %mul3A_836 : vector<16xi32>
    %add3A_838 = arith.addi %add3A_837, %get3A_830 : vector<16xi32>
    %swap3A_839 = arith.constant 2 : i32
    %swap3A_840 = arith.index_cast %swap3A_839 : i32 to index
    %swap3A_841 = arith.constant 112 : index
    %swap3A_842 = tpu.vector_load %arg6[%swap3A_840, %swap3A_841] {strides = array<i32>} : memref<4x128xi32, #tpu.memory_space<vmem>>, vector<1x16xi32>,
    %swap3A_843 = vector.shape_cast %swap3A_842 : vector<1x16xi32> to vector<16xi32>
    %swap3A_844 = vector.shape_cast %add3A_838 : vector<16xi32> to vector<1x16xi32>
    tpu.vector_store %arg6[%swap3A_840, %swap3A_841], %swap3A_844 {strides = array<i32>} : memref<4x128xi32, #tpu.memory_space<vmem>>, vector<1x16xi32>,
    %get3A_845 = arith.constant 0 : i32
    %get3A_846 = arith.constant 3 : i32
    %get3A_847 = arith.index_cast %get3A_845 : i32 to index
    %get3A_848 = arith.index_cast %get3A_846 : i32 to index
    %get3A_849 = arith.constant 0 : index
    %get3A_850 = tpu.vector_load %arg5[%get3A_847, %get3A_848, %get3A_849] {strides = array<i32>} : memref<3x4x128xi32, #tpu.memory_space<vmem>>, vector<1x1x16xi32>,
    %get3A_851 = vector.shape_cast %get3A_850 : vector<1x1x16xi32> to vector<16xi32>
    %get3A_852 = arith.constant 1 : i32
    %get3A_853 = arith.constant 3 : i32
    %get3A_854 = arith.index_cast %get3A_852 : i32 to index
    %get3A_855 = arith.index_cast %get3A_853 : i32 to index
    %get3A_856 = arith.constant 0 : index
    %get3A_857 = tpu.vector_load %arg5[%get3A_854, %get3A_855, %get3A_856] {strides = array<i32>} : memref<3x4x128xi32, #tpu.memory_space<vmem>>, vector<1x1x16xi32>,
    %get3A_858 = vector.shape_cast %get3A_857 : vector<1x1x16xi32> to vector<16xi32>
    %get3A_859 = arith.constant 2 : i32
    %get3A_860 = arith.constant 3 : i32
    %get3A_861 = arith.index_cast %get3A_859 : i32 to index
    %get3A_862 = arith.index_cast %get3A_860 : i32 to index
    %get3A_863 = arith.constant 0 : index
    %get3A_864 = tpu.vector_load %arg5[%get3A_861, %get3A_862, %get3A_863] {strides = array<i32>} : memref<3x4x128xi32, #tpu.memory_space<vmem>>, vector<1x1x16xi32>,
    %get3A_865 = vector.shape_cast %get3A_864 : vector<1x1x16xi32> to vector<16xi32>
    %mul3A_866 = arith.constant 147 : i32
    %mul3A_867 = vector.broadcast %mul3A_866 : i32 to vector<16xi32>
    %mul3A_868 = arith.muli %get3A_851, %mul3A_867 : vector<16xi32>
    %mul3A_869 = arith.constant 21 : i32
    %mul3A_870 = vector.broadcast %mul3A_869 : i32 to vector<16xi32>
    %mul3A_871 = arith.muli %get3A_858, %mul3A_870 : vector<16xi32>
    %add3A_872 = arith.addi %mul3A_868, %mul3A_871 : vector<16xi32>
    %add3A_873 = arith.addi %add3A_872, %get3A_865 : vector<16xi32>
    %swap3A_874 = arith.constant 3 : i32
    %swap3A_875 = arith.index_cast %swap3A_874 : i32 to index
    %swap3A_876 = arith.constant 0 : index
    %swap3A_877 = tpu.vector_load %arg6[%swap3A_875, %swap3A_876] {strides = array<i32>} : memref<4x128xi32, #tpu.memory_space<vmem>>, vector<1x16xi32>,
    %swap3A_878 = vector.shape_cast %swap3A_877 : vector<1x16xi32> to vector<16xi32>
    %swap3A_879 = vector.shape_cast %add3A_873 : vector<16xi32> to vector<1x16xi32>
    tpu.vector_store %arg6[%swap3A_875, %swap3A_876], %swap3A_879 {strides = array<i32>} : memref<4x128xi32, #tpu.memory_space<vmem>>, vector<1x16xi32>,
    %get3A_880 = arith.constant 0 : i32
    %get3A_881 = arith.constant 3 : i32
    %get3A_882 = arith.index_cast %get3A_880 : i32 to index
    %get3A_883 = arith.index_cast %get3A_881 : i32 to index
    %get3A_884 = arith.constant 16 : index
    %get3A_885 = tpu.vector_load %arg5[%get3A_882, %get3A_883, %get3A_884] {strides = array<i32>} : memref<3x4x128xi32, #tpu.memory_space<vmem>>, vector<1x1x16xi32>,
    %get3A_886 = vector.shape_cast %get3A_885 : vector<1x1x16xi32> to vector<16xi32>
    %get3A_887 = arith.constant 1 : i32
    %get3A_888 = arith.constant 3 : i32
    %get3A_889 = arith.index_cast %get3A_887 : i32 to index
    %get3A_890 = arith.index_cast %get3A_888 : i32 to index
    %get3A_891 = arith.constant 16 : index
    %get3A_892 = tpu.vector_load %arg5[%get3A_889, %get3A_890, %get3A_891] {strides = array<i32>} : memref<3x4x128xi32, #tpu.memory_space<vmem>>, vector<1x1x16xi32>,
    %get3A_893 = vector.shape_cast %get3A_892 : vector<1x1x16xi32> to vector<16xi32>
    %get3A_894 = arith.constant 2 : i32
    %get3A_895 = arith.constant 3 : i32
    %get3A_896 = arith.index_cast %get3A_894 : i32 to index
    %get3A_897 = arith.index_cast %get3A_895 : i32 to index
    %get3A_898 = arith.constant 16 : index
    %get3A_899 = tpu.vector_load %arg5[%get3A_896, %get3A_897, %get3A_898] {strides = array<i32>} : memref<3x4x128xi32, #tpu.memory_space<vmem>>, vector<1x1x16xi32>,
    %get3A_900 = vector.shape_cast %get3A_899 : vector<1x1x16xi32> to vector<16xi32>
    %mul3A_901 = arith.constant 147 : i32
    %mul3A_902 = vector.broadcast %mul3A_901 : i32 to vector<16xi32>
    %mul3A_903 = arith.muli %get3A_886, %mul3A_902 : vector<16xi32>
    %mul3A_904 = arith.constant 21 : i32
    %mul3A_905 = vector.broadcast %mul3A_904 : i32 to vector<16xi32>
    %mul3A_906 = arith.muli %get3A_893, %mul3A_905 : vector<16xi32>
    %add3A_907 = arith.addi %mul3A_903, %mul3A_906 : vector<16xi32>
    %add3A_908 = arith.addi %add3A_907, %get3A_900 : vector<16xi32>
    %swap3A_909 = arith.constant 3 : i32
    %swap3A_910 = arith.index_cast %swap3A_909 : i32 to index
    %swap3A_911 = arith.constant 16 : index
    %swap3A_912 = tpu.vector_load %arg6[%swap3A_910, %swap3A_911] {strides = array<i32>} : memref<4x128xi32, #tpu.memory_space<vmem>>, vector<1x16xi32>,
    %swap3A_913 = vector.shape_cast %swap3A_912 : vector<1x16xi32> to vector<16xi32>
    %swap3A_914 = vector.shape_cast %add3A_908 : vector<16xi32> to vector<1x16xi32>
    tpu.vector_store %arg6[%swap3A_910, %swap3A_911], %swap3A_914 {strides = array<i32>} : memref<4x128xi32, #tpu.memory_space<vmem>>, vector<1x16xi32>,
    %get3A_915 = arith.constant 0 : i32
    %get3A_916 = arith.constant 3 : i32
    %get3A_917 = arith.index_cast %get3A_915 : i32 to index
    %get3A_918 = arith.index_cast %get3A_916 : i32 to index
    %get3A_919 = arith.constant 32 : index
    %get3A_920 = tpu.vector_load %arg5[%get3A_917, %get3A_918, %get3A_919] {strides = array<i32>} : memref<3x4x128xi32, #tpu.memory_space<vmem>>, vector<1x1x16xi32>,
    %get3A_921 = vector.shape_cast %get3A_920 : vector<1x1x16xi32> to vector<16xi32>
    %get3A_922 = arith.constant 1 : i32
    %get3A_923 = arith.constant 3 : i32
    %get3A_924 = arith.index_cast %get3A_922 : i32 to index
    %get3A_925 = arith.index_cast %get3A_923 : i32 to index
    %get3A_926 = arith.constant 32 : index
    %get3A_927 = tpu.vector_load %arg5[%get3A_924, %get3A_925, %get3A_926] {strides = array<i32>} : memref<3x4x128xi32, #tpu.memory_space<vmem>>, vector<1x1x16xi32>,
    %get3A_928 = vector.shape_cast %get3A_927 : vector<1x1x16xi32> to vector<16xi32>
    %get3A_929 = arith.constant 2 : i32
    %get3A_930 = arith.constant 3 : i32
    %get3A_931 = arith.index_cast %get3A_929 : i32 to index
    %get3A_932 = arith.index_cast %get3A_930 : i32 to index
    %get3A_933 = arith.constant 32 : index
    %get3A_934 = tpu.vector_load %arg5[%get3A_931, %get3A_932, %get3A_933] {strides = array<i32>} : memref<3x4x128xi32, #tpu.memory_space<vmem>>, vector<1x1x16xi32>,
    %get3A_935 = vector.shape_cast %get3A_934 : vector<1x1x16xi32> to vector<16xi32>
    %mul3A_936 = arith.constant 147 : i32
    %mul3A_937 = vector.broadcast %mul3A_936 : i32 to vector<16xi32>
    %mul3A_938 = arith.muli %get3A_921, %mul3A_937 : vector<16xi32>
    %mul3A_939 = arith.constant 21 : i32
    %mul3A_940 = vector.broadcast %mul3A_939 : i32 to vector<16xi32>
    %mul3A_941 = arith.muli %get3A_928, %mul3A_940 : vector<16xi32>
    %add3A_942 = arith.addi %mul3A_938, %mul3A_941 : vector<16xi32>
    %add3A_943 = arith.addi %add3A_942, %get3A_935 : vector<16xi32>
    %swap3A_944 = arith.constant 3 : i32
    %swap3A_945 = arith.index_cast %swap3A_944 : i32 to index
    %swap3A_946 = arith.constant 32 : index
    %swap3A_947 = tpu.vector_load %arg6[%swap3A_945, %swap3A_946] {strides = array<i32>} : memref<4x128xi32, #tpu.memory_space<vmem>>, vector<1x16xi32>,
    %swap3A_948 = vector.shape_cast %swap3A_947 : vector<1x16xi32> to vector<16xi32>
    %swap3A_949 = vector.shape_cast %add3A_943 : vector<16xi32> to vector<1x16xi32>
    tpu.vector_store %arg6[%swap3A_945, %swap3A_946], %swap3A_949 {strides = array<i32>} : memref<4x128xi32, #tpu.memory_space<vmem>>, vector<1x16xi32>,
    %get3A_950 = arith.constant 0 : i32
    %get3A_951 = arith.constant 3 : i32
    %get3A_952 = arith.index_cast %get3A_950 : i32 to index
    %get3A_953 = arith.index_cast %get3A_951 : i32 to index
    %get3A_954 = arith.constant 48 : index
    %get3A_955 = tpu.vector_load %arg5[%get3A_952, %get3A_953, %get3A_954] {strides = array<i32>} : memref<3x4x128xi32, #tpu.memory_space<vmem>>, vector<1x1x16xi32>,
    %get3A_956 = vector.shape_cast %get3A_955 : vector<1x1x16xi32> to vector<16xi32>
    %get3A_957 = arith.constant 1 : i32
    %get3A_958 = arith.constant 3 : i32
    %get3A_959 = arith.index_cast %get3A_957 : i32 to index
    %get3A_960 = arith.index_cast %get3A_958 : i32 to index
    %get3A_961 = arith.constant 48 : index
    %get3A_962 = tpu.vector_load %arg5[%get3A_959, %get3A_960, %get3A_961] {strides = array<i32>} : memref<3x4x128xi32, #tpu.memory_space<vmem>>, vector<1x1x16xi32>,
    %get3A_963 = vector.shape_cast %get3A_962 : vector<1x1x16xi32> to vector<16xi32>
    %get3A_964 = arith.constant 2 : i32
    %get3A_965 = arith.constant 3 : i32
    %get3A_966 = arith.index_cast %get3A_964 : i32 to index
    %get3A_967 = arith.index_cast %get3A_965 : i32 to index
    %get3A_968 = arith.constant 48 : index
    %get3A_969 = tpu.vector_load %arg5[%get3A_966, %get3A_967, %get3A_968] {strides = array<i32>} : memref<3x4x128xi32, #tpu.memory_space<vmem>>, vector<1x1x16xi32>,
    %get3A_970 = vector.shape_cast %get3A_969 : vector<1x1x16xi32> to vector<16xi32>
    %mul3A_971 = arith.constant 147 : i32
    %mul3A_972 = vector.broadcast %mul3A_971 : i32 to vector<16xi32>
    %mul3A_973 = arith.muli %get3A_956, %mul3A_972 : vector<16xi32>
    %mul3A_974 = arith.constant 21 : i32
    %mul3A_975 = vector.broadcast %mul3A_974 : i32 to vector<16xi32>
    %mul3A_976 = arith.muli %get3A_963, %mul3A_975 : vector<16xi32>
    %add3A_977 = arith.addi %mul3A_973, %mul3A_976 : vector<16xi32>
    %add3A_978 = arith.addi %add3A_977, %get3A_970 : vector<16xi32>
    %swap3A_979 = arith.constant 3 : i32
    %swap3A_980 = arith.index_cast %swap3A_979 : i32 to index
    %swap3A_981 = arith.constant 48 : index
    %swap3A_982 = tpu.vector_load %arg6[%swap3A_980, %swap3A_981] {strides = array<i32>} : memref<4x128xi32, #tpu.memory_space<vmem>>, vector<1x16xi32>,
    %swap3A_983 = vector.shape_cast %swap3A_982 : vector<1x16xi32> to vector<16xi32>
    %swap3A_984 = vector.shape_cast %add3A_978 : vector<16xi32> to vector<1x16xi32>
    tpu.vector_store %arg6[%swap3A_980, %swap3A_981], %swap3A_984 {strides = array<i32>} : memref<4x128xi32, #tpu.memory_space<vmem>>, vector<1x16xi32>,
    %get3A_985 = arith.constant 0 : i32
    %get3A_986 = arith.constant 3 : i32
    %get3A_987 = arith.index_cast %get3A_985 : i32 to index
    %get3A_988 = arith.index_cast %get3A_986 : i32 to index
    %get3A_989 = arith.constant 64 : index
    %get3A_990 = tpu.vector_load %arg5[%get3A_987, %get3A_988, %get3A_989] {strides = array<i32>} : memref<3x4x128xi32, #tpu.memory_space<vmem>>, vector<1x1x16xi32>,
    %get3A_991 = vector.shape_cast %get3A_990 : vector<1x1x16xi32> to vector<16xi32>
    %get3A_992 = arith.constant 1 : i32
    %get3A_993 = arith.constant 3 : i32
    %get3A_994 = arith.index_cast %get3A_992 : i32 to index
    %get3A_995 = arith.index_cast %get3A_993 : i32 to index
    %get3A_996 = arith.constant 64 : index
    %get3A_997 = tpu.vector_load %arg5[%get3A_994, %get3A_995, %get3A_996] {strides = array<i32>} : memref<3x4x128xi32, #tpu.memory_space<vmem>>, vector<1x1x16xi32>,
    %get3A_998 = vector.shape_cast %get3A_997 : vector<1x1x16xi32> to vector<16xi32>
    %get3A_999 = arith.constant 2 : i32
    %get3A_1000 = arith.constant 3 : i32
    %get3A_1001 = arith.index_cast %get3A_999 : i32 to index
    %get3A_1002 = arith.index_cast %get3A_1000 : i32 to index
    %get3A_1003 = arith.constant 64 : index
    %get3A_1004 = tpu.vector_load %arg5[%get3A_1001, %get3A_1002, %get3A_1003] {strides = array<i32>} : memref<3x4x128xi32, #tpu.memory_space<vmem>>, vector<1x1x16xi32>,
    %get3A_1005 = vector.shape_cast %get3A_1004 : vector<1x1x16xi32> to vector<16xi32>
    %mul3A_1006 = arith.constant 147 : i32
    %mul3A_1007 = vector.broadcast %mul3A_1006 : i32 to vector<16xi32>
    %mul3A_1008 = arith.muli %get3A_991, %mul3A_1007 : vector<16xi32>
    %mul3A_1009 = arith.constant 21 : i32
    %mul3A_1010 = vector.broadcast %mul3A_1009 : i32 to vector<16xi32>
    %mul3A_1011 = arith.muli %get3A_998, %mul3A_1010 : vector<16xi32>
    %add3A_1012 = arith.addi %mul3A_1008, %mul3A_1011 : vector<16xi32>
    %add3A_1013 = arith.addi %add3A_1012, %get3A_1005 : vector<16xi32>
    %swap3A_1014 = arith.constant 3 : i32
    %swap3A_1015 = arith.index_cast %swap3A_1014 : i32 to index
    %swap3A_1016 = arith.constant 64 : index
    %swap3A_1017 = tpu.vector_load %arg6[%swap3A_1015, %swap3A_1016] {strides = array<i32>} : memref<4x128xi32, #tpu.memory_space<vmem>>, vector<1x16xi32>,
    %swap3A_1018 = vector.shape_cast %swap3A_1017 : vector<1x16xi32> to vector<16xi32>
    %swap3A_1019 = vector.shape_cast %add3A_1013 : vector<16xi32> to vector<1x16xi32>
    tpu.vector_store %arg6[%swap3A_1015, %swap3A_1016], %swap3A_1019 {strides = array<i32>} : memref<4x128xi32, #tpu.memory_space<vmem>>, vector<1x16xi32>,
    %get3A_1020 = arith.constant 0 : i32
    %get3A_1021 = arith.constant 3 : i32
    %get3A_1022 = arith.index_cast %get3A_1020 : i32 to index
    %get3A_1023 = arith.index_cast %get3A_1021 : i32 to index
    %get3A_1024 = arith.constant 80 : index
    %get3A_1025 = tpu.vector_load %arg5[%get3A_1022, %get3A_1023, %get3A_1024] {strides = array<i32>} : memref<3x4x128xi32, #tpu.memory_space<vmem>>, vector<1x1x16xi32>,
    %get3A_1026 = vector.shape_cast %get3A_1025 : vector<1x1x16xi32> to vector<16xi32>
    %get3A_1027 = arith.constant 1 : i32
    %get3A_1028 = arith.constant 3 : i32
    %get3A_1029 = arith.index_cast %get3A_1027 : i32 to index
    %get3A_1030 = arith.index_cast %get3A_1028 : i32 to index
    %get3A_1031 = arith.constant 80 : index
    %get3A_1032 = tpu.vector_load %arg5[%get3A_1029, %get3A_1030, %get3A_1031] {strides = array<i32>} : memref<3x4x128xi32, #tpu.memory_space<vmem>>, vector<1x1x16xi32>,
    %get3A_1033 = vector.shape_cast %get3A_1032 : vector<1x1x16xi32> to vector<16xi32>
    %get3A_1034 = arith.constant 2 : i32
    %get3A_1035 = arith.constant 3 : i32
    %get3A_1036 = arith.index_cast %get3A_1034 : i32 to index
    %get3A_1037 = arith.index_cast %get3A_1035 : i32 to index
    %get3A_1038 = arith.constant 80 : index
    %get3A_1039 = tpu.vector_load %arg5[%get3A_1036, %get3A_1037, %get3A_1038] {strides = array<i32>} : memref<3x4x128xi32, #tpu.memory_space<vmem>>, vector<1x1x16xi32>,
    %get3A_1040 = vector.shape_cast %get3A_1039 : vector<1x1x16xi32> to vector<16xi32>
    %mul3A_1041 = arith.constant 147 : i32
    %mul3A_1042 = vector.broadcast %mul3A_1041 : i32 to vector<16xi32>
    %mul3A_1043 = arith.muli %get3A_1026, %mul3A_1042 : vector<16xi32>
    %mul3A_1044 = arith.constant 21 : i32
    %mul3A_1045 = vector.broadcast %mul3A_1044 : i32 to vector<16xi32>
    %mul3A_1046 = arith.muli %get3A_1033, %mul3A_1045 : vector<16xi32>
    %add3A_1047 = arith.addi %mul3A_1043, %mul3A_1046 : vector<16xi32>
    %add3A_1048 = arith.addi %add3A_1047, %get3A_1040 : vector<16xi32>
    %swap3A_1049 = arith.constant 3 : i32
    %swap3A_1050 = arith.index_cast %swap3A_1049 : i32 to index
    %swap3A_1051 = arith.constant 80 : index
    %swap3A_1052 = tpu.vector_load %arg6[%swap3A_1050, %swap3A_1051] {strides = array<i32>} : memref<4x128xi32, #tpu.memory_space<vmem>>, vector<1x16xi32>,
    %swap3A_1053 = vector.shape_cast %swap3A_1052 : vector<1x16xi32> to vector<16xi32>
    %swap3A_1054 = vector.shape_cast %add3A_1048 : vector<16xi32> to vector<1x16xi32>
    tpu.vector_store %arg6[%swap3A_1050, %swap3A_1051], %swap3A_1054 {strides = array<i32>} : memref<4x128xi32, #tpu.memory_space<vmem>>, vector<1x16xi32>,
    %get3A_1055 = arith.constant 0 : i32
    %get3A_1056 = arith.constant 3 : i32
    %get3A_1057 = arith.index_cast %get3A_1055 : i32 to index
    %get3A_1058 = arith.index_cast %get3A_1056 : i32 to index
    %get3A_1059 = arith.constant 96 : index
    %get3A_1060 = tpu.vector_load %arg5[%get3A_1057, %get3A_1058, %get3A_1059] {strides = array<i32>} : memref<3x4x128xi32, #tpu.memory_space<vmem>>, vector<1x1x16xi32>,
    %get3A_1061 = vector.shape_cast %get3A_1060 : vector<1x1x16xi32> to vector<16xi32>
    %get3A_1062 = arith.constant 1 : i32
    %get3A_1063 = arith.constant 3 : i32
    %get3A_1064 = arith.index_cast %get3A_1062 : i32 to index
    %get3A_1065 = arith.index_cast %get3A_1063 : i32 to index
    %get3A_1066 = arith.constant 96 : index
    %get3A_1067 = tpu.vector_load %arg5[%get3A_1064, %get3A_1065, %get3A_1066] {strides = array<i32>} : memref<3x4x128xi32, #tpu.memory_space<vmem>>, vector<1x1x16xi32>,
    %get3A_1068 = vector.shape_cast %get3A_1067 : vector<1x1x16xi32> to vector<16xi32>
    %get3A_1069 = arith.constant 2 : i32
    %get3A_1070 = arith.constant 3 : i32
    %get3A_1071 = arith.index_cast %get3A_1069 : i32 to index
    %get3A_1072 = arith.index_cast %get3A_1070 : i32 to index
    %get3A_1073 = arith.constant 96 : index
    %get3A_1074 = tpu.vector_load %arg5[%get3A_1071, %get3A_1072, %get3A_1073] {strides = array<i32>} : memref<3x4x128xi32, #tpu.memory_space<vmem>>, vector<1x1x16xi32>,
    %get3A_1075 = vector.shape_cast %get3A_1074 : vector<1x1x16xi32> to vector<16xi32>
    %mul3A_1076 = arith.constant 147 : i32
    %mul3A_1077 = vector.broadcast %mul3A_1076 : i32 to vector<16xi32>
    %mul3A_1078 = arith.muli %get3A_1061, %mul3A_1077 : vector<16xi32>
    %mul3A_1079 = arith.constant 21 : i32
    %mul3A_1080 = vector.broadcast %mul3A_1079 : i32 to vector<16xi32>
    %mul3A_1081 = arith.muli %get3A_1068, %mul3A_1080 : vector<16xi32>
    %add3A_1082 = arith.addi %mul3A_1078, %mul3A_1081 : vector<16xi32>
    %add3A_1083 = arith.addi %add3A_1082, %get3A_1075 : vector<16xi32>
    %swap3A_1084 = arith.constant 3 : i32
    %swap3A_1085 = arith.index_cast %swap3A_1084 : i32 to index
    %swap3A_1086 = arith.constant 96 : index
    %swap3A_1087 = tpu.vector_load %arg6[%swap3A_1085, %swap3A_1086] {strides = array<i32>} : memref<4x128xi32, #tpu.memory_space<vmem>>, vector<1x16xi32>,
    %swap3A_1088 = vector.shape_cast %swap3A_1087 : vector<1x16xi32> to vector<16xi32>
    %swap3A_1089 = vector.shape_cast %add3A_1083 : vector<16xi32> to vector<1x16xi32>
    tpu.vector_store %arg6[%swap3A_1085, %swap3A_1086], %swap3A_1089 {strides = array<i32>} : memref<4x128xi32, #tpu.memory_space<vmem>>, vector<1x16xi32>,
    %get3A_1090 = arith.constant 0 : i32
    %get3A_1091 = arith.constant 3 : i32
    %get3A_1092 = arith.index_cast %get3A_1090 : i32 to index
    %get3A_1093 = arith.index_cast %get3A_1091 : i32 to index
    %get3A_1094 = arith.constant 112 : index
    %get3A_1095 = tpu.vector_load %arg5[%get3A_1092, %get3A_1093, %get3A_1094] {strides = array<i32>} : memref<3x4x128xi32, #tpu.memory_space<vmem>>, vector<1x1x16xi32>,
    %get3A_1096 = vector.shape_cast %get3A_1095 : vector<1x1x16xi32> to vector<16xi32>
    %get3A_1097 = arith.constant 1 : i32
    %get3A_1098 = arith.constant 3 : i32
    %get3A_1099 = arith.index_cast %get3A_1097 : i32 to index
    %get3A_1100 = arith.index_cast %get3A_1098 : i32 to index
    %get3A_1101 = arith.constant 112 : index
    %get3A_1102 = tpu.vector_load %arg5[%get3A_1099, %get3A_1100, %get3A_1101] {strides = array<i32>} : memref<3x4x128xi32, #tpu.memory_space<vmem>>, vector<1x1x16xi32>,
    %get3A_1103 = vector.shape_cast %get3A_1102 : vector<1x1x16xi32> to vector<16xi32>
    %get3A_1104 = arith.constant 2 : i32
    %get3A_1105 = arith.constant 3 : i32
    %get3A_1106 = arith.index_cast %get3A_1104 : i32 to index
    %get3A_1107 = arith.index_cast %get3A_1105 : i32 to index
    %get3A_1108 = arith.constant 112 : index
    %get3A_1109 = tpu.vector_load %arg5[%get3A_1106, %get3A_1107, %get3A_1108] {strides = array<i32>} : memref<3x4x128xi32, #tpu.memory_space<vmem>>, vector<1x1x16xi32>,
    %get3A_1110 = vector.shape_cast %get3A_1109 : vector<1x1x16xi32> to vector<16xi32>
    %mul3A_1111 = arith.constant 147 : i32
    %mul3A_1112 = vector.broadcast %mul3A_1111 : i32 to vector<16xi32>
    %mul3A_1113 = arith.muli %get3A_1096, %mul3A_1112 : vector<16xi32>
    %mul3A_1114 = arith.constant 21 : i32
    %mul3A_1115 = vector.broadcast %mul3A_1114 : i32 to vector<16xi32>
    %mul3A_1116 = arith.muli %get3A_1103, %mul3A_1115 : vector<16xi32>
    %add3A_1117 = arith.addi %mul3A_1113, %mul3A_1116 : vector<16xi32>
    %add3A_1118 = arith.addi %add3A_1117, %get3A_1110 : vector<16xi32>
    %swap3A_1119 = arith.constant 3 : i32
    %swap3A_1120 = arith.index_cast %swap3A_1119 : i32 to index
    %swap3A_1121 = arith.constant 112 : index
    %swap3A_1122 = tpu.vector_load %arg6[%swap3A_1120, %swap3A_1121] {strides = array<i32>} : memref<4x128xi32, #tpu.memory_space<vmem>>, vector<1x16xi32>,
    %swap3A_1123 = vector.shape_cast %swap3A_1122 : vector<1x16xi32> to vector<16xi32>
    %swap3A_1124 = vector.shape_cast %add3A_1118 : vector<16xi32> to vector<1x16xi32>
    tpu.vector_store %arg6[%swap3A_1120, %swap3A_1121], %swap3A_1124 {strides = array<i32>} : memref<4x128xi32, #tpu.memory_space<vmem>>, vector<1x16xi32>,
    %eq3A_1125 = arith.constant 0 : i32
    %eq3A_1126 = arith.cmpi eq, %arg1, %eq3A_1125 : i32
    %convert_element_type3A_1127 = arith.extui %eq3A_1126 : i1 to i32
    %cond3A_1128 = arith.constant 0 : i32
    %cond3A_1129 = arith.cmpi ne, %convert_element_type3A_1127, %cond3A_1128 : i32
    scf.if %cond3A_1129 {
      tpu.wait_dma2 semaphore(%arg11 : memref<!tpu.dma_semaphore, #tpu.memory_space<semaphore_mem>>) src(%arg3 : memref<294x128xf32, #tpu.memory_space<hbm>>) dst(%arg7 : memref<294x128xf32, #tpu.memory_space<vmem_shared>>)
    } else {
    }
    %barrier3A = arith.constant 0 : index
    tpu.barrier barrier_id(%barrier3A)
    %dma_start3A = arith.constant 0 : i32
    %dma_start3A_1130 = arith.constant 0 : i32
    %dma_start3A_1131 = arith.constant 0 : i32
    %dma_start3A_1132 = arith.constant 0 : i32
    %dma_start3A_1133 = tpu.memref_slice %arg8[%dma_start3A_1130, %dma_start3A_1131, %dma_start3A_1132] : memref<2x128x128xf32, #tpu.memory_space<vmem>> -> memref<1x128x128xf32, #tpu.memory_space<vmem>>
    %dma_start3A_1134 = tpu.memref_squeeze %dma_start3A_1133 : memref<1x128x128xf32, #tpu.memory_space<vmem>> -> memref<128x128xf32, #tpu.memory_space<vmem>>
    %dma_start3A_1135 = arith.constant 0 : i32
    %dma_start3A_1136 = tpu.memref_slice %arg6[%dma_start3A, %dma_start3A_1135] : memref<4x128xi32, #tpu.memory_space<vmem>> -> memref<1x128xi32, #tpu.memory_space<vmem>>
    %dma_start3A_1137 = tpu.memref_squeeze %dma_start3A_1136 : memref<1x128xi32, #tpu.memory_space<vmem>> -> memref<128xi32, #tpu.memory_space<vmem>>
    %dma_start3A_1138 = arith.constant 0 : i32
    %dma_start3A_1139 = arith.constant 0 : i32
    %dma_start3A_1140 = tpu.memref_slice %arg7[%dma_start3A_1138, %dma_start3A_1139] : memref<294x128xf32, #tpu.memory_space<vmem_shared>> -> memref<294x128xf32, #tpu.memory_space<vmem_shared>>
    tpu.enqueue_indirect_dma source(%dma_start3A_1140 : memref<294x128xf32, #tpu.memory_space<vmem_shared>>) target(%dma_start3A_1134 : memref<128x128xf32, #tpu.memory_space<vmem>>) offsets(%dma_start3A_1137 : memref<128xi32, #tpu.memory_space<vmem>>) semaphore(%arg10 : memref<!tpu.dma_semaphore, #tpu.memory_space<semaphore_mem>>)
    %dma_start3A_1141 = arith.constant 1 : i32
    %dma_start3A_1142 = arith.constant 1 : i32
    %dma_start3A_1143 = arith.constant 0 : i32
    %dma_start3A_1144 = arith.constant 0 : i32
    %dma_start3A_1145 = tpu.memref_slice %arg8[%dma_start3A_1142, %dma_start3A_1143, %dma_start3A_1144] : memref<2x128x128xf32, #tpu.memory_space<vmem>> -> memref<1x128x128xf32, #tpu.memory_space<vmem>>
    %dma_start3A_1146 = tpu.memref_squeeze %dma_start3A_1145 : memref<1x128x128xf32, #tpu.memory_space<vmem>> -> memref<128x128xf32, #tpu.memory_space<vmem>>
    %dma_start3A_1147 = arith.constant 0 : i32
    %dma_start3A_1148 = tpu.memref_slice %arg6[%dma_start3A_1141, %dma_start3A_1147] : memref<4x128xi32, #tpu.memory_space<vmem>> -> memref<1x128xi32, #tpu.memory_space<vmem>>
    %dma_start3A_1149 = tpu.memref_squeeze %dma_start3A_1148 : memref<1x128xi32, #tpu.memory_space<vmem>> -> memref<128xi32, #tpu.memory_space<vmem>>
    %dma_start3A_1150 = arith.constant 0 : i32
    %dma_start3A_1151 = arith.constant 0 : i32
    %dma_start3A_1152 = tpu.memref_slice %arg7[%dma_start3A_1150, %dma_start3A_1151] : memref<294x128xf32, #tpu.memory_space<vmem_shared>> -> memref<294x128xf32, #tpu.memory_space<vmem_shared>>
    tpu.enqueue_indirect_dma source(%dma_start3A_1152 : memref<294x128xf32, #tpu.memory_space<vmem_shared>>) target(%dma_start3A_1146 : memref<128x128xf32, #tpu.memory_space<vmem>>) offsets(%dma_start3A_1149 : memref<128xi32, #tpu.memory_space<vmem>>) semaphore(%arg10 : memref<!tpu.dma_semaphore, #tpu.memory_space<semaphore_mem>>)
    %dma_wait3A = arith.constant 0 : i32
    %dma_wait3A_1153 = arith.constant 0 : i32
    %dma_wait3A_1154 = arith.constant 0 : i32
    %dma_wait3A_1155 = arith.constant 0 : i32
    %dma_wait3A_1156 = tpu.memref_slice %arg8[%dma_wait3A_1153, %dma_wait3A_1154, %dma_wait3A_1155] : memref<2x128x128xf32, #tpu.memory_space<vmem>> -> memref<1x128x128xf32, #tpu.memory_space<vmem>>
    %dma_wait3A_1157 = tpu.memref_squeeze %dma_wait3A_1156 : memref<1x128x128xf32, #tpu.memory_space<vmem>> -> memref<128x128xf32, #tpu.memory_space<vmem>>
    %dma_wait3A_1158 = arith.constant 0 : i32
    %dma_wait3A_1159 = tpu.memref_slice %arg6[%dma_wait3A, %dma_wait3A_1158] : memref<4x128xi32, #tpu.memory_space<vmem>> -> memref<1x128xi32, #tpu.memory_space<vmem>>
    %dma_wait3A_1160 = tpu.memref_squeeze %dma_wait3A_1159 : memref<1x128xi32, #tpu.memory_space<vmem>> -> memref<128xi32, #tpu.memory_space<vmem>>
    %dma_wait3A_1161 = arith.constant 0 : i32
    %dma_wait3A_1162 = arith.constant 0 : i32
    %dma_wait3A_1163 = tpu.memref_slice %arg7[%dma_wait3A_1161, %dma_wait3A_1162] : memref<294x128xf32, #tpu.memory_space<vmem_shared>> -> memref<294x128xf32, #tpu.memory_space<vmem_shared>>
    tpu.wait_indirect_dma semaphore(%arg10 : memref<!tpu.dma_semaphore, #tpu.memory_space<semaphore_mem>>) src(%dma_wait3A_1163 : memref<294x128xf32, #tpu.memory_space<vmem_shared>>) dst(%dma_wait3A_1157 : memref<128x128xf32, #tpu.memory_space<vmem>>)
    %scan3A = arith.constant 0 : i32
    %scan3A_1164 = arith.constant 128 : i32
    %scan3A_1165 = arith.addi %scan3A, %scan3A_1164 : i32
    %scan3A_1166 = arith.constant 1 : i32
    scf.for %scan3A_1331 = %scan3A to %scan3A_1165 step %scan3A_1166  : i32 {
      %mul3A_1332 = arith.constant 1 : i32
      %mul3A_1333 = arith.muli %scan3A_1331, %mul3A_1332 : i32
      %add3A_1334 = arith.constant 0 : i32
      %add3A_1335 = arith.addi %add3A_1334, %mul3A_1333 : i32
      %get3A_1336 = arith.constant 0 : i32
      %get3A_1337 = arith.index_cast %get3A_1336 : i32 to index
      %get3A_1338 = arith.index_cast %add3A_1335 : i32 to index
      %get3A_1339 = arith.constant 0 : index
      %get3A_1340 = tpu.vector_load %arg8[%get3A_1337, %get3A_1338, %get3A_1339] {strides = array<i32>} : memref<2x128x128xf32, #tpu.memory_space<vmem>>, vector<1x1x16xf32>,
      %get3A_1341 = vector.shape_cast %get3A_1340 : vector<1x1x16xf32> to vector<16xf32>
      %add3A_1342 = arith.constant 0 : i32
      %add3A_1343 = arith.addi %add3A_1342, %add3A_1335 : i32
      %swap3A_1344 = arith.index_cast %add3A_1343 : i32 to index
      %swap3A_1345 = arith.constant 0 : index
      %swap3A_1346 = tpu.vector_load %arg9[%swap3A_1344, %swap3A_1345] {strides = array<i32>} : memref<512x96xf32, #tpu.memory_space<vmem>>, vector<1x16xf32>,
      %swap3A_1347 = vector.shape_cast %swap3A_1346 : vector<1x16xf32> to vector<16xf32>
      %swap3A_1348 = vector.shape_cast %get3A_1341 : vector<16xf32> to vector<1x16xf32>
      tpu.vector_store %arg9[%swap3A_1344, %swap3A_1345], %swap3A_1348 {strides = array<i32>} : memref<512x96xf32, #tpu.memory_space<vmem>>, vector<1x16xf32>,
      %get3A_1349 = arith.constant 0 : i32
      %get3A_1350 = arith.index_cast %get3A_1349 : i32 to index
      %get3A_1351 = arith.index_cast %add3A_1335 : i32 to index
      %get3A_1352 = arith.constant 16 : index
      %get3A_1353 = tpu.vector_load %arg8[%get3A_1350, %get3A_1351, %get3A_1352] {strides = array<i32>} : memref<2x128x128xf32, #tpu.memory_space<vmem>>, vector<1x1x16xf32>,
      %get3A_1354 = vector.shape_cast %get3A_1353 : vector<1x1x16xf32> to vector<16xf32>
      %add3A_1355 = arith.constant 0 : i32
      %add3A_1356 = arith.addi %add3A_1355, %add3A_1335 : i32
      %swap3A_1357 = arith.index_cast %add3A_1356 : i32 to index
      %swap3A_1358 = arith.constant 16 : index
      %swap3A_1359 = tpu.vector_load %arg9[%swap3A_1357, %swap3A_1358] {strides = array<i32>} : memref<512x96xf32, #tpu.memory_space<vmem>>, vector<1x16xf32>,
      %swap3A_1360 = vector.shape_cast %swap3A_1359 : vector<1x16xf32> to vector<16xf32>
      %swap3A_1361 = vector.shape_cast %get3A_1354 : vector<16xf32> to vector<1x16xf32>
      tpu.vector_store %arg9[%swap3A_1357, %swap3A_1358], %swap3A_1361 {strides = array<i32>} : memref<512x96xf32, #tpu.memory_space<vmem>>, vector<1x16xf32>,
      %get3A_1362 = arith.constant 0 : i32
      %get3A_1363 = arith.index_cast %get3A_1362 : i32 to index
      %get3A_1364 = arith.index_cast %add3A_1335 : i32 to index
      %get3A_1365 = arith.constant 32 : index
      %get3A_1366 = tpu.vector_load %arg8[%get3A_1363, %get3A_1364, %get3A_1365] {strides = array<i32>} : memref<2x128x128xf32, #tpu.memory_space<vmem>>, vector<1x1x16xf32>,
      %get3A_1367 = vector.shape_cast %get3A_1366 : vector<1x1x16xf32> to vector<16xf32>
      %add3A_1368 = arith.constant 0 : i32
      %add3A_1369 = arith.addi %add3A_1368, %add3A_1335 : i32
      %swap3A_1370 = arith.index_cast %add3A_1369 : i32 to index
      %swap3A_1371 = arith.constant 32 : index
      %swap3A_1372 = tpu.vector_load %arg9[%swap3A_1370, %swap3A_1371] {strides = array<i32>} : memref<512x96xf32, #tpu.memory_space<vmem>>, vector<1x16xf32>,
      %swap3A_1373 = vector.shape_cast %swap3A_1372 : vector<1x16xf32> to vector<16xf32>
      %swap3A_1374 = vector.shape_cast %get3A_1367 : vector<16xf32> to vector<1x16xf32>
      tpu.vector_store %arg9[%swap3A_1370, %swap3A_1371], %swap3A_1374 {strides = array<i32>} : memref<512x96xf32, #tpu.memory_space<vmem>>, vector<1x16xf32>,
      %get3A_1375 = arith.constant 0 : i32
      %get3A_1376 = arith.index_cast %get3A_1375 : i32 to index
      %get3A_1377 = arith.index_cast %add3A_1335 : i32 to index
      %get3A_1378 = arith.constant 48 : index
      %get3A_1379 = tpu.vector_load %arg8[%get3A_1376, %get3A_1377, %get3A_1378] {strides = array<i32>} : memref<2x128x128xf32, #tpu.memory_space<vmem>>, vector<1x1x16xf32>,
      %get3A_1380 = vector.shape_cast %get3A_1379 : vector<1x1x16xf32> to vector<16xf32>
      %add3A_1381 = arith.constant 0 : i32
      %add3A_1382 = arith.addi %add3A_1381, %add3A_1335 : i32
      %swap3A_1383 = arith.index_cast %add3A_1382 : i32 to index
      %swap3A_1384 = arith.constant 48 : index
      %swap3A_1385 = tpu.vector_load %arg9[%swap3A_1383, %swap3A_1384] {strides = array<i32>} : memref<512x96xf32, #tpu.memory_space<vmem>>, vector<1x16xf32>,
      %swap3A_1386 = vector.shape_cast %swap3A_1385 : vector<1x16xf32> to vector<16xf32>
      %swap3A_1387 = vector.shape_cast %get3A_1380 : vector<16xf32> to vector<1x16xf32>
      tpu.vector_store %arg9[%swap3A_1383, %swap3A_1384], %swap3A_1387 {strides = array<i32>} : memref<512x96xf32, #tpu.memory_space<vmem>>, vector<1x16xf32>,
      %get3A_1388 = arith.constant 0 : i32
      %get3A_1389 = arith.index_cast %get3A_1388 : i32 to index
      %get3A_1390 = arith.index_cast %add3A_1335 : i32 to index
      %get3A_1391 = arith.constant 64 : index
      %get3A_1392 = tpu.vector_load %arg8[%get3A_1389, %get3A_1390, %get3A_1391] {strides = array<i32>} : memref<2x128x128xf32, #tpu.memory_space<vmem>>, vector<1x1x16xf32>,
      %get3A_1393 = vector.shape_cast %get3A_1392 : vector<1x1x16xf32> to vector<16xf32>
      %add3A_1394 = arith.constant 0 : i32
      %add3A_1395 = arith.addi %add3A_1394, %add3A_1335 : i32
      %swap3A_1396 = arith.index_cast %add3A_1395 : i32 to index
      %swap3A_1397 = arith.constant 64 : index
      %swap3A_1398 = tpu.vector_load %arg9[%swap3A_1396, %swap3A_1397] {strides = array<i32>} : memref<512x96xf32, #tpu.memory_space<vmem>>, vector<1x16xf32>,
      %swap3A_1399 = vector.shape_cast %swap3A_1398 : vector<1x16xf32> to vector<16xf32>
      %swap3A_1400 = vector.shape_cast %get3A_1393 : vector<16xf32> to vector<1x16xf32>
      tpu.vector_store %arg9[%swap3A_1396, %swap3A_1397], %swap3A_1400 {strides = array<i32>} : memref<512x96xf32, #tpu.memory_space<vmem>>, vector<1x16xf32>,
      %get3A_1401 = arith.constant 0 : i32
      %get3A_1402 = arith.index_cast %get3A_1401 : i32 to index
      %get3A_1403 = arith.index_cast %add3A_1335 : i32 to index
      %get3A_1404 = arith.constant 80 : index
      %get3A_1405 = tpu.vector_load %arg8[%get3A_1402, %get3A_1403, %get3A_1404] {strides = array<i32>} : memref<2x128x128xf32, #tpu.memory_space<vmem>>, vector<1x1x16xf32>,
      %get3A_1406 = vector.shape_cast %get3A_1405 : vector<1x1x16xf32> to vector<16xf32>
      %add3A_1407 = arith.constant 0 : i32
      %add3A_1408 = arith.addi %add3A_1407, %add3A_1335 : i32
      %swap3A_1409 = arith.index_cast %add3A_1408 : i32 to index
      %swap3A_1410 = arith.constant 80 : index
      %swap3A_1411 = tpu.vector_load %arg9[%swap3A_1409, %swap3A_1410] {strides = array<i32>} : memref<512x96xf32, #tpu.memory_space<vmem>>, vector<1x16xf32>,
      %swap3A_1412 = vector.shape_cast %swap3A_1411 : vector<1x16xf32> to vector<16xf32>
      %swap3A_1413 = vector.shape_cast %get3A_1406 : vector<16xf32> to vector<1x16xf32>
      tpu.vector_store %arg9[%swap3A_1409, %swap3A_1410], %swap3A_1413 {strides = array<i32>} : memref<512x96xf32, #tpu.memory_space<vmem>>, vector<1x16xf32>,
    }
    %scan3A_1167 = arith.constant 128 : i32
    %add3A_1168 = arith.constant 0 : i32
    %add3A_1169 = arith.addi %mul3A_4, %add3A_1168 : i32
    %dma_start3A_1170 = arith.constant 0 : i32
    %dma_start3A_1171 = arith.constant 0 : i32
    %dma_start3A_1172 = tpu.memref_slice %arg9[%dma_start3A_1170, %dma_start3A_1171] : memref<512x96xf32, #tpu.memory_space<vmem>> -> memref<128x96xf32, #tpu.memory_space<vmem>>
    %dma_start3A_1173 = arith.constant 0 : i32
    %dma_start3A_1174 = tpu.memref_slice %arg4[%add3A_1169, %dma_start3A_1173] : memref<16384x96xf32, #tpu.memory_space<hbm>> -> memref<128x96xf32, #tpu.memory_space<hbm>>
    %dma_start3A_1175 = arith.constant 0 : i32
    %dma_start3A_1176 = tpu.memref_slice %arg4[%add3A_1169, %dma_start3A_1175] : memref<16384x96xf32, #tpu.memory_space<hbm>> -> memref<128x96xf32, #tpu.memory_space<hbm>>
    %dma_start3A_1177 = arith.constant 0 : i32
    %dma_start3A_1178 = arith.constant 0 : i32
    %dma_start3A_1179 = tpu.memref_slice %arg9[%dma_start3A_1177, %dma_start3A_1178] : memref<512x96xf32, #tpu.memory_space<vmem>> -> memref<128x96xf32, #tpu.memory_space<vmem>>
    tpu.enqueue_dma source(%dma_start3A_1179 : memref<128x96xf32, #tpu.memory_space<vmem>>) target(%dma_start3A_1176 : memref<128x96xf32, #tpu.memory_space<hbm>>) target_semaphore(%arg12 : memref<!tpu.dma_semaphore, #tpu.memory_space<semaphore_mem>>)
    %dma_start3A_1180 = arith.constant 2 : i32
    %dma_start3A_1181 = arith.constant 0 : i32
    %dma_start3A_1182 = arith.constant 0 : i32
    %dma_start3A_1183 = arith.constant 0 : i32
    %dma_start3A_1184 = tpu.memref_slice %arg8[%dma_start3A_1181, %dma_start3A_1182, %dma_start3A_1183] : memref<2x128x128xf32, #tpu.memory_space<vmem>> -> memref<1x128x128xf32, #tpu.memory_space<vmem>>
    %dma_start3A_1185 = tpu.memref_squeeze %dma_start3A_1184 : memref<1x128x128xf32, #tpu.memory_space<vmem>> -> memref<128x128xf32, #tpu.memory_space<vmem>>
    %dma_start3A_1186 = arith.constant 0 : i32
    %dma_start3A_1187 = tpu.memref_slice %arg6[%dma_start3A_1180, %dma_start3A_1186] : memref<4x128xi32, #tpu.memory_space<vmem>> -> memref<1x128xi32, #tpu.memory_space<vmem>>
    %dma_start3A_1188 = tpu.memref_squeeze %dma_start3A_1187 : memref<1x128xi32, #tpu.memory_space<vmem>> -> memref<128xi32, #tpu.memory_space<vmem>>
    %dma_start3A_1189 = arith.constant 0 : i32
    %dma_start3A_1190 = arith.constant 0 : i32
    %dma_start3A_1191 = tpu.memref_slice %arg7[%dma_start3A_1189, %dma_start3A_1190] : memref<294x128xf32, #tpu.memory_space<vmem_shared>> -> memref<294x128xf32, #tpu.memory_space<vmem_shared>>
    tpu.enqueue_indirect_dma source(%dma_start3A_1191 : memref<294x128xf32, #tpu.memory_space<vmem_shared>>) target(%dma_start3A_1185 : memref<128x128xf32, #tpu.memory_space<vmem>>) offsets(%dma_start3A_1188 : memref<128xi32, #tpu.memory_space<vmem>>) semaphore(%arg10 : memref<!tpu.dma_semaphore, #tpu.memory_space<semaphore_mem>>)
    %dma_wait3A_1192 = arith.constant 1 : i32
    %dma_wait3A_1193 = arith.constant 1 : i32
    %dma_wait3A_1194 = arith.constant 0 : i32
    %dma_wait3A_1195 = arith.constant 0 : i32
    %dma_wait3A_1196 = tpu.memref_slice %arg8[%dma_wait3A_1193, %dma_wait3A_1194, %dma_wait3A_1195] : memref<2x128x128xf32, #tpu.memory_space<vmem>> -> memref<1x128x128xf32, #tpu.memory_space<vmem>>
    %dma_wait3A_1197 = tpu.memref_squeeze %dma_wait3A_1196 : memref<1x128x128xf32, #tpu.memory_space<vmem>> -> memref<128x128xf32, #tpu.memory_space<vmem>>
    %dma_wait3A_1198 = arith.constant 0 : i32
    %dma_wait3A_1199 = tpu.memref_slice %arg6[%dma_wait3A_1192, %dma_wait3A_1198] : memref<4x128xi32, #tpu.memory_space<vmem>> -> memref<1x128xi32, #tpu.memory_space<vmem>>
    %dma_wait3A_1200 = tpu.memref_squeeze %dma_wait3A_1199 : memref<1x128xi32, #tpu.memory_space<vmem>> -> memref<128xi32, #tpu.memory_space<vmem>>
    %dma_wait3A_1201 = arith.constant 0 : i32
    %dma_wait3A_1202 = arith.constant 0 : i32
    %dma_wait3A_1203 = tpu.memref_slice %arg7[%dma_wait3A_1201, %dma_wait3A_1202] : memref<294x128xf32, #tpu.memory_space<vmem_shared>> -> memref<294x128xf32, #tpu.memory_space<vmem_shared>>
    tpu.wait_indirect_dma semaphore(%arg10 : memref<!tpu.dma_semaphore, #tpu.memory_space<semaphore_mem>>) src(%dma_wait3A_1203 : memref<294x128xf32, #tpu.memory_space<vmem_shared>>) dst(%dma_wait3A_1197 : memref<128x128xf32, #tpu.memory_space<vmem>>)
    %scan3A_1204 = arith.constant 0 : i32
    %scan3A_1205 = arith.constant 128 : i32
    %scan3A_1206 = arith.addi %scan3A_1204, %scan3A_1205 : i32
    %scan3A_1207 = arith.constant 1 : i32
    scf.for %scan3A_1331 = %scan3A_1204 to %scan3A_1206 step %scan3A_1207  : i32 {
      %mul3A_1332 = arith.constant 1 : i32
      %mul3A_1333 = arith.muli %scan3A_1331, %mul3A_1332 : i32
      %add3A_1334 = arith.constant 0 : i32
      %add3A_1335 = arith.addi %add3A_1334, %mul3A_1333 : i32
      %get3A_1336 = arith.constant 1 : i32
      %get3A_1337 = arith.index_cast %get3A_1336 : i32 to index
      %get3A_1338 = arith.index_cast %add3A_1335 : i32 to index
      %get3A_1339 = arith.constant 0 : index
      %get3A_1340 = tpu.vector_load %arg8[%get3A_1337, %get3A_1338, %get3A_1339] {strides = array<i32>} : memref<2x128x128xf32, #tpu.memory_space<vmem>>, vector<1x1x16xf32>,
      %get3A_1341 = vector.shape_cast %get3A_1340 : vector<1x1x16xf32> to vector<16xf32>
      %add3A_1342 = arith.constant 128 : i32
      %add3A_1343 = arith.addi %add3A_1342, %add3A_1335 : i32
      %swap3A_1344 = arith.index_cast %add3A_1343 : i32 to index
      %swap3A_1345 = arith.constant 0 : index
      %swap3A_1346 = tpu.vector_load %arg9[%swap3A_1344, %swap3A_1345] {strides = array<i32>} : memref<512x96xf32, #tpu.memory_space<vmem>>, vector<1x16xf32>,
      %swap3A_1347 = vector.shape_cast %swap3A_1346 : vector<1x16xf32> to vector<16xf32>
      %swap3A_1348 = vector.shape_cast %get3A_1341 : vector<16xf32> to vector<1x16xf32>
      tpu.vector_store %arg9[%swap3A_1344, %swap3A_1345], %swap3A_1348 {strides = array<i32>} : memref<512x96xf32, #tpu.memory_space<vmem>>, vector<1x16xf32>,
      %get3A_1349 = arith.constant 1 : i32
      %get3A_1350 = arith.index_cast %get3A_1349 : i32 to index
      %get3A_1351 = arith.index_cast %add3A_1335 : i32 to index
      %get3A_1352 = arith.constant 16 : index
      %get3A_1353 = tpu.vector_load %arg8[%get3A_1350, %get3A_1351, %get3A_1352] {strides = array<i32>} : memref<2x128x128xf32, #tpu.memory_space<vmem>>, vector<1x1x16xf32>,
      %get3A_1354 = vector.shape_cast %get3A_1353 : vector<1x1x16xf32> to vector<16xf32>
      %add3A_1355 = arith.constant 128 : i32
      %add3A_1356 = arith.addi %add3A_1355, %add3A_1335 : i32
      %swap3A_1357 = arith.index_cast %add3A_1356 : i32 to index
      %swap3A_1358 = arith.constant 16 : index
      %swap3A_1359 = tpu.vector_load %arg9[%swap3A_1357, %swap3A_1358] {strides = array<i32>} : memref<512x96xf32, #tpu.memory_space<vmem>>, vector<1x16xf32>,
      %swap3A_1360 = vector.shape_cast %swap3A_1359 : vector<1x16xf32> to vector<16xf32>
      %swap3A_1361 = vector.shape_cast %get3A_1354 : vector<16xf32> to vector<1x16xf32>
      tpu.vector_store %arg9[%swap3A_1357, %swap3A_1358], %swap3A_1361 {strides = array<i32>} : memref<512x96xf32, #tpu.memory_space<vmem>>, vector<1x16xf32>,
      %get3A_1362 = arith.constant 1 : i32
      %get3A_1363 = arith.index_cast %get3A_1362 : i32 to index
      %get3A_1364 = arith.index_cast %add3A_1335 : i32 to index
      %get3A_1365 = arith.constant 32 : index
      %get3A_1366 = tpu.vector_load %arg8[%get3A_1363, %get3A_1364, %get3A_1365] {strides = array<i32>} : memref<2x128x128xf32, #tpu.memory_space<vmem>>, vector<1x1x16xf32>,
      %get3A_1367 = vector.shape_cast %get3A_1366 : vector<1x1x16xf32> to vector<16xf32>
      %add3A_1368 = arith.constant 128 : i32
      %add3A_1369 = arith.addi %add3A_1368, %add3A_1335 : i32
      %swap3A_1370 = arith.index_cast %add3A_1369 : i32 to index
      %swap3A_1371 = arith.constant 32 : index
      %swap3A_1372 = tpu.vector_load %arg9[%swap3A_1370, %swap3A_1371] {strides = array<i32>} : memref<512x96xf32, #tpu.memory_space<vmem>>, vector<1x16xf32>,
      %swap3A_1373 = vector.shape_cast %swap3A_1372 : vector<1x16xf32> to vector<16xf32>
      %swap3A_1374 = vector.shape_cast %get3A_1367 : vector<16xf32> to vector<1x16xf32>
      tpu.vector_store %arg9[%swap3A_1370, %swap3A_1371], %swap3A_1374 {strides = array<i32>} : memref<512x96xf32, #tpu.memory_space<vmem>>, vector<1x16xf32>,
      %get3A_1375 = arith.constant 1 : i32
      %get3A_1376 = arith.index_cast %get3A_1375 : i32 to index
      %get3A_1377 = arith.index_cast %add3A_1335 : i32 to index
      %get3A_1378 = arith.constant 48 : index
      %get3A_1379 = tpu.vector_load %arg8[%get3A_1376, %get3A_1377, %get3A_1378] {strides = array<i32>} : memref<2x128x128xf32, #tpu.memory_space<vmem>>, vector<1x1x16xf32>,
      %get3A_1380 = vector.shape_cast %get3A_1379 : vector<1x1x16xf32> to vector<16xf32>
      %add3A_1381 = arith.constant 128 : i32
      %add3A_1382 = arith.addi %add3A_1381, %add3A_1335 : i32
      %swap3A_1383 = arith.index_cast %add3A_1382 : i32 to index
      %swap3A_1384 = arith.constant 48 : index
      %swap3A_1385 = tpu.vector_load %arg9[%swap3A_1383, %swap3A_1384] {strides = array<i32>} : memref<512x96xf32, #tpu.memory_space<vmem>>, vector<1x16xf32>,
      %swap3A_1386 = vector.shape_cast %swap3A_1385 : vector<1x16xf32> to vector<16xf32>
      %swap3A_1387 = vector.shape_cast %get3A_1380 : vector<16xf32> to vector<1x16xf32>
      tpu.vector_store %arg9[%swap3A_1383, %swap3A_1384], %swap3A_1387 {strides = array<i32>} : memref<512x96xf32, #tpu.memory_space<vmem>>, vector<1x16xf32>,
      %get3A_1388 = arith.constant 1 : i32
      %get3A_1389 = arith.index_cast %get3A_1388 : i32 to index
      %get3A_1390 = arith.index_cast %add3A_1335 : i32 to index
      %get3A_1391 = arith.constant 64 : index
      %get3A_1392 = tpu.vector_load %arg8[%get3A_1389, %get3A_1390, %get3A_1391] {strides = array<i32>} : memref<2x128x128xf32, #tpu.memory_space<vmem>>, vector<1x1x16xf32>,
      %get3A_1393 = vector.shape_cast %get3A_1392 : vector<1x1x16xf32> to vector<16xf32>
      %add3A_1394 = arith.constant 128 : i32
      %add3A_1395 = arith.addi %add3A_1394, %add3A_1335 : i32
      %swap3A_1396 = arith.index_cast %add3A_1395 : i32 to index
      %swap3A_1397 = arith.constant 64 : index
      %swap3A_1398 = tpu.vector_load %arg9[%swap3A_1396, %swap3A_1397] {strides = array<i32>} : memref<512x96xf32, #tpu.memory_space<vmem>>, vector<1x16xf32>,
      %swap3A_1399 = vector.shape_cast %swap3A_1398 : vector<1x16xf32> to vector<16xf32>
      %swap3A_1400 = vector.shape_cast %get3A_1393 : vector<16xf32> to vector<1x16xf32>
      tpu.vector_store %arg9[%swap3A_1396, %swap3A_1397], %swap3A_1400 {strides = array<i32>} : memref<512x96xf32, #tpu.memory_space<vmem>>, vector<1x16xf32>,
      %get3A_1401 = arith.constant 1 : i32
      %get3A_1402 = arith.index_cast %get3A_1401 : i32 to index
      %get3A_1403 = arith.index_cast %add3A_1335 : i32 to index
      %get3A_1404 = arith.constant 80 : index
      %get3A_1405 = tpu.vector_load %arg8[%get3A_1402, %get3A_1403, %get3A_1404] {strides = array<i32>} : memref<2x128x128xf32, #tpu.memory_space<vmem>>, vector<1x1x16xf32>,
      %get3A_1406 = vector.shape_cast %get3A_1405 : vector<1x1x16xf32> to vector<16xf32>
      %add3A_1407 = arith.constant 128 : i32
      %add3A_1408 = arith.addi %add3A_1407, %add3A_1335 : i32
      %swap3A_1409 = arith.index_cast %add3A_1408 : i32 to index
      %swap3A_1410 = arith.constant 80 : index
      %swap3A_1411 = tpu.vector_load %arg9[%swap3A_1409, %swap3A_1410] {strides = array<i32>} : memref<512x96xf32, #tpu.memory_space<vmem>>, vector<1x16xf32>,
      %swap3A_1412 = vector.shape_cast %swap3A_1411 : vector<1x16xf32> to vector<16xf32>
      %swap3A_1413 = vector.shape_cast %get3A_1406 : vector<16xf32> to vector<1x16xf32>
      tpu.vector_store %arg9[%swap3A_1409, %swap3A_1410], %swap3A_1413 {strides = array<i32>} : memref<512x96xf32, #tpu.memory_space<vmem>>, vector<1x16xf32>,
    }
    %scan3A_1208 = arith.constant 128 : i32
    %add3A_1209 = arith.constant 128 : i32
    %add3A_1210 = arith.addi %mul3A_4, %add3A_1209 : i32
    %dma_start3A_1211 = arith.constant 128 : i32
    %dma_start3A_1212 = arith.constant 0 : i32
    %dma_start3A_1213 = tpu.memref_slice %arg9[%dma_start3A_1211, %dma_start3A_1212] : memref<512x96xf32, #tpu.memory_space<vmem>> -> memref<128x96xf32, #tpu.memory_space<vmem>>
    %dma_start3A_1214 = arith.constant 0 : i32
    %dma_start3A_1215 = tpu.memref_slice %arg4[%add3A_1210, %dma_start3A_1214] : memref<16384x96xf32, #tpu.memory_space<hbm>> -> memref<128x96xf32, #tpu.memory_space<hbm>>
    %dma_start3A_1216 = arith.constant 0 : i32
    %dma_start3A_1217 = tpu.memref_slice %arg4[%add3A_1210, %dma_start3A_1216] : memref<16384x96xf32, #tpu.memory_space<hbm>> -> memref<128x96xf32, #tpu.memory_space<hbm>>
    %dma_start3A_1218 = arith.constant 128 : i32
    %dma_start3A_1219 = arith.constant 0 : i32
    %dma_start3A_1220 = tpu.memref_slice %arg9[%dma_start3A_1218, %dma_start3A_1219] : memref<512x96xf32, #tpu.memory_space<vmem>> -> memref<128x96xf32, #tpu.memory_space<vmem>>
    tpu.enqueue_dma source(%dma_start3A_1220 : memref<128x96xf32, #tpu.memory_space<vmem>>) target(%dma_start3A_1217 : memref<128x96xf32, #tpu.memory_space<hbm>>) target_semaphore(%arg12 : memref<!tpu.dma_semaphore, #tpu.memory_space<semaphore_mem>>)
    %dma_start3A_1221 = arith.constant 3 : i32
    %dma_start3A_1222 = arith.constant 1 : i32
    %dma_start3A_1223 = arith.constant 0 : i32
    %dma_start3A_1224 = arith.constant 0 : i32
    %dma_start3A_1225 = tpu.memref_slice %arg8[%dma_start3A_1222, %dma_start3A_1223, %dma_start3A_1224] : memref<2x128x128xf32, #tpu.memory_space<vmem>> -> memref<1x128x128xf32, #tpu.memory_space<vmem>>
    %dma_start3A_1226 = tpu.memref_squeeze %dma_start3A_1225 : memref<1x128x128xf32, #tpu.memory_space<vmem>> -> memref<128x128xf32, #tpu.memory_space<vmem>>
    %dma_start3A_1227 = arith.constant 0 : i32
    %dma_start3A_1228 = tpu.memref_slice %arg6[%dma_start3A_1221, %dma_start3A_1227] : memref<4x128xi32, #tpu.memory_space<vmem>> -> memref<1x128xi32, #tpu.memory_space<vmem>>
    %dma_start3A_1229 = tpu.memref_squeeze %dma_start3A_1228 : memref<1x128xi32, #tpu.memory_space<vmem>> -> memref<128xi32, #tpu.memory_space<vmem>>
    %dma_start3A_1230 = arith.constant 0 : i32
    %dma_start3A_1231 = arith.constant 0 : i32
    %dma_start3A_1232 = tpu.memref_slice %arg7[%dma_start3A_1230, %dma_start3A_1231] : memref<294x128xf32, #tpu.memory_space<vmem_shared>> -> memref<294x128xf32, #tpu.memory_space<vmem_shared>>
    tpu.enqueue_indirect_dma source(%dma_start3A_1232 : memref<294x128xf32, #tpu.memory_space<vmem_shared>>) target(%dma_start3A_1226 : memref<128x128xf32, #tpu.memory_space<vmem>>) offsets(%dma_start3A_1229 : memref<128xi32, #tpu.memory_space<vmem>>) semaphore(%arg10 : memref<!tpu.dma_semaphore, #tpu.memory_space<semaphore_mem>>)
    %dma_wait3A_1233 = arith.constant 2 : i32
    %dma_wait3A_1234 = arith.constant 0 : i32
    %dma_wait3A_1235 = arith.constant 0 : i32
    %dma_wait3A_1236 = arith.constant 0 : i32
    %dma_wait3A_1237 = tpu.memref_slice %arg8[%dma_wait3A_1234, %dma_wait3A_1235, %dma_wait3A_1236] : memref<2x128x128xf32, #tpu.memory_space<vmem>> -> memref<1x128x128xf32, #tpu.memory_space<vmem>>
    %dma_wait3A_1238 = tpu.memref_squeeze %dma_wait3A_1237 : memref<1x128x128xf32, #tpu.memory_space<vmem>> -> memref<128x128xf32, #tpu.memory_space<vmem>>
    %dma_wait3A_1239 = arith.constant 0 : i32
    %dma_wait3A_1240 = tpu.memref_slice %arg6[%dma_wait3A_1233, %dma_wait3A_1239] : memref<4x128xi32, #tpu.memory_space<vmem>> -> memref<1x128xi32, #tpu.memory_space<vmem>>
    %dma_wait3A_1241 = tpu.memref_squeeze %dma_wait3A_1240 : memref<1x128xi32, #tpu.memory_space<vmem>> -> memref<128xi32, #tpu.memory_space<vmem>>
    %dma_wait3A_1242 = arith.constant 0 : i32
    %dma_wait3A_1243 = arith.constant 0 : i32
    %dma_wait3A_1244 = tpu.memref_slice %arg7[%dma_wait3A_1242, %dma_wait3A_1243] : memref<294x128xf32, #tpu.memory_space<vmem_shared>> -> memref<294x128xf32, #tpu.memory_space<vmem_shared>>
    tpu.wait_indirect_dma semaphore(%arg10 : memref<!tpu.dma_semaphore, #tpu.memory_space<semaphore_mem>>) src(%dma_wait3A_1244 : memref<294x128xf32, #tpu.memory_space<vmem_shared>>) dst(%dma_wait3A_1238 : memref<128x128xf32, #tpu.memory_space<vmem>>)
    %scan3A_1245 = arith.constant 0 : i32
    %scan3A_1246 = arith.constant 128 : i32
    %scan3A_1247 = arith.addi %scan3A_1245, %scan3A_1246 : i32
    %scan3A_1248 = arith.constant 1 : i32
    scf.for %scan3A_1331 = %scan3A_1245 to %scan3A_1247 step %scan3A_1248  : i32 {
      %mul3A_1332 = arith.constant 1 : i32
      %mul3A_1333 = arith.muli %scan3A_1331, %mul3A_1332 : i32
      %add3A_1334 = arith.constant 0 : i32
      %add3A_1335 = arith.addi %add3A_1334, %mul3A_1333 : i32
      %get3A_1336 = arith.constant 0 : i32
      %get3A_1337 = arith.index_cast %get3A_1336 : i32 to index
      %get3A_1338 = arith.index_cast %add3A_1335 : i32 to index
      %get3A_1339 = arith.constant 0 : index
      %get3A_1340 = tpu.vector_load %arg8[%get3A_1337, %get3A_1338, %get3A_1339] {strides = array<i32>} : memref<2x128x128xf32, #tpu.memory_space<vmem>>, vector<1x1x16xf32>,
      %get3A_1341 = vector.shape_cast %get3A_1340 : vector<1x1x16xf32> to vector<16xf32>
      %add3A_1342 = arith.constant 256 : i32
      %add3A_1343 = arith.addi %add3A_1342, %add3A_1335 : i32
      %swap3A_1344 = arith.index_cast %add3A_1343 : i32 to index
      %swap3A_1345 = arith.constant 0 : index
      %swap3A_1346 = tpu.vector_load %arg9[%swap3A_1344, %swap3A_1345] {strides = array<i32>} : memref<512x96xf32, #tpu.memory_space<vmem>>, vector<1x16xf32>,
      %swap3A_1347 = vector.shape_cast %swap3A_1346 : vector<1x16xf32> to vector<16xf32>
      %swap3A_1348 = vector.shape_cast %get3A_1341 : vector<16xf32> to vector<1x16xf32>
      tpu.vector_store %arg9[%swap3A_1344, %swap3A_1345], %swap3A_1348 {strides = array<i32>} : memref<512x96xf32, #tpu.memory_space<vmem>>, vector<1x16xf32>,
      %get3A_1349 = arith.constant 0 : i32
      %get3A_1350 = arith.index_cast %get3A_1349 : i32 to index
      %get3A_1351 = arith.index_cast %add3A_1335 : i32 to index
      %get3A_1352 = arith.constant 16 : index
      %get3A_1353 = tpu.vector_load %arg8[%get3A_1350, %get3A_1351, %get3A_1352] {strides = array<i32>} : memref<2x128x128xf32, #tpu.memory_space<vmem>>, vector<1x1x16xf32>,
      %get3A_1354 = vector.shape_cast %get3A_1353 : vector<1x1x16xf32> to vector<16xf32>
      %add3A_1355 = arith.constant 256 : i32
      %add3A_1356 = arith.addi %add3A_1355, %add3A_1335 : i32
      %swap3A_1357 = arith.index_cast %add3A_1356 : i32 to index
      %swap3A_1358 = arith.constant 16 : index
      %swap3A_1359 = tpu.vector_load %arg9[%swap3A_1357, %swap3A_1358] {strides = array<i32>} : memref<512x96xf32, #tpu.memory_space<vmem>>, vector<1x16xf32>,
      %swap3A_1360 = vector.shape_cast %swap3A_1359 : vector<1x16xf32> to vector<16xf32>
      %swap3A_1361 = vector.shape_cast %get3A_1354 : vector<16xf32> to vector<1x16xf32>
      tpu.vector_store %arg9[%swap3A_1357, %swap3A_1358], %swap3A_1361 {strides = array<i32>} : memref<512x96xf32, #tpu.memory_space<vmem>>, vector<1x16xf32>,
      %get3A_1362 = arith.constant 0 : i32
      %get3A_1363 = arith.index_cast %get3A_1362 : i32 to index
      %get3A_1364 = arith.index_cast %add3A_1335 : i32 to index
      %get3A_1365 = arith.constant 32 : index
      %get3A_1366 = tpu.vector_load %arg8[%get3A_1363, %get3A_1364, %get3A_1365] {strides = array<i32>} : memref<2x128x128xf32, #tpu.memory_space<vmem>>, vector<1x1x16xf32>,
      %get3A_1367 = vector.shape_cast %get3A_1366 : vector<1x1x16xf32> to vector<16xf32>
      %add3A_1368 = arith.constant 256 : i32
      %add3A_1369 = arith.addi %add3A_1368, %add3A_1335 : i32
      %swap3A_1370 = arith.index_cast %add3A_1369 : i32 to index
      %swap3A_1371 = arith.constant 32 : index
      %swap3A_1372 = tpu.vector_load %arg9[%swap3A_1370, %swap3A_1371] {strides = array<i32>} : memref<512x96xf32, #tpu.memory_space<vmem>>, vector<1x16xf32>,
      %swap3A_1373 = vector.shape_cast %swap3A_1372 : vector<1x16xf32> to vector<16xf32>
      %swap3A_1374 = vector.shape_cast %get3A_1367 : vector<16xf32> to vector<1x16xf32>
      tpu.vector_store %arg9[%swap3A_1370, %swap3A_1371], %swap3A_1374 {strides = array<i32>} : memref<512x96xf32, #tpu.memory_space<vmem>>, vector<1x16xf32>,
      %get3A_1375 = arith.constant 0 : i32
      %get3A_1376 = arith.index_cast %get3A_1375 : i32 to index
      %get3A_1377 = arith.index_cast %add3A_1335 : i32 to index
      %get3A_1378 = arith.constant 48 : index
      %get3A_1379 = tpu.vector_load %arg8[%get3A_1376, %get3A_1377, %get3A_1378] {strides = array<i32>} : memref<2x128x128xf32, #tpu.memory_space<vmem>>, vector<1x1x16xf32>,
      %get3A_1380 = vector.shape_cast %get3A_1379 : vector<1x1x16xf32> to vector<16xf32>
      %add3A_1381 = arith.constant 256 : i32
      %add3A_1382 = arith.addi %add3A_1381, %add3A_1335 : i32
      %swap3A_1383 = arith.index_cast %add3A_1382 : i32 to index
      %swap3A_1384 = arith.constant 48 : index
      %swap3A_1385 = tpu.vector_load %arg9[%swap3A_1383, %swap3A_1384] {strides = array<i32>} : memref<512x96xf32, #tpu.memory_space<vmem>>, vector<1x16xf32>,
      %swap3A_1386 = vector.shape_cast %swap3A_1385 : vector<1x16xf32> to vector<16xf32>
      %swap3A_1387 = vector.shape_cast %get3A_1380 : vector<16xf32> to vector<1x16xf32>
      tpu.vector_store %arg9[%swap3A_1383, %swap3A_1384], %swap3A_1387 {strides = array<i32>} : memref<512x96xf32, #tpu.memory_space<vmem>>, vector<1x16xf32>,
      %get3A_1388 = arith.constant 0 : i32
      %get3A_1389 = arith.index_cast %get3A_1388 : i32 to index
      %get3A_1390 = arith.index_cast %add3A_1335 : i32 to index
      %get3A_1391 = arith.constant 64 : index
      %get3A_1392 = tpu.vector_load %arg8[%get3A_1389, %get3A_1390, %get3A_1391] {strides = array<i32>} : memref<2x128x128xf32, #tpu.memory_space<vmem>>, vector<1x1x16xf32>,
      %get3A_1393 = vector.shape_cast %get3A_1392 : vector<1x1x16xf32> to vector<16xf32>
      %add3A_1394 = arith.constant 256 : i32
      %add3A_1395 = arith.addi %add3A_1394, %add3A_1335 : i32
      %swap3A_1396 = arith.index_cast %add3A_1395 : i32 to index
      %swap3A_1397 = arith.constant 64 : index
      %swap3A_1398 = tpu.vector_load %arg9[%swap3A_1396, %swap3A_1397] {strides = array<i32>} : memref<512x96xf32, #tpu.memory_space<vmem>>, vector<1x16xf32>,
      %swap3A_1399 = vector.shape_cast %swap3A_1398 : vector<1x16xf32> to vector<16xf32>
      %swap3A_1400 = vector.shape_cast %get3A_1393 : vector<16xf32> to vector<1x16xf32>
      tpu.vector_store %arg9[%swap3A_1396, %swap3A_1397], %swap3A_1400 {strides = array<i32>} : memref<512x96xf32, #tpu.memory_space<vmem>>, vector<1x16xf32>,
      %get3A_1401 = arith.constant 0 : i32
      %get3A_1402 = arith.index_cast %get3A_1401 : i32 to index
      %get3A_1403 = arith.index_cast %add3A_1335 : i32 to index
      %get3A_1404 = arith.constant 80 : index
      %get3A_1405 = tpu.vector_load %arg8[%get3A_1402, %get3A_1403, %get3A_1404] {strides = array<i32>} : memref<2x128x128xf32, #tpu.memory_space<vmem>>, vector<1x1x16xf32>,
      %get3A_1406 = vector.shape_cast %get3A_1405 : vector<1x1x16xf32> to vector<16xf32>
      %add3A_1407 = arith.constant 256 : i32
      %add3A_1408 = arith.addi %add3A_1407, %add3A_1335 : i32
      %swap3A_1409 = arith.index_cast %add3A_1408 : i32 to index
      %swap3A_1410 = arith.constant 80 : index
      %swap3A_1411 = tpu.vector_load %arg9[%swap3A_1409, %swap3A_1410] {strides = array<i32>} : memref<512x96xf32, #tpu.memory_space<vmem>>, vector<1x16xf32>,
      %swap3A_1412 = vector.shape_cast %swap3A_1411 : vector<1x16xf32> to vector<16xf32>
      %swap3A_1413 = vector.shape_cast %get3A_1406 : vector<16xf32> to vector<1x16xf32>
      tpu.vector_store %arg9[%swap3A_1409, %swap3A_1410], %swap3A_1413 {strides = array<i32>} : memref<512x96xf32, #tpu.memory_space<vmem>>, vector<1x16xf32>,
    }
    %scan3A_1249 = arith.constant 128 : i32
    %add3A_1250 = arith.constant 256 : i32
    %add3A_1251 = arith.addi %mul3A_4, %add3A_1250 : i32
    %dma_start3A_1252 = arith.constant 256 : i32
    %dma_start3A_1253 = arith.constant 0 : i32
    %dma_start3A_1254 = tpu.memref_slice %arg9[%dma_start3A_1252, %dma_start3A_1253] : memref<512x96xf32, #tpu.memory_space<vmem>> -> memref<128x96xf32, #tpu.memory_space<vmem>>
    %dma_start3A_1255 = arith.constant 0 : i32
    %dma_start3A_1256 = tpu.memref_slice %arg4[%add3A_1251, %dma_start3A_1255] : memref<16384x96xf32, #tpu.memory_space<hbm>> -> memref<128x96xf32, #tpu.memory_space<hbm>>
    %dma_start3A_1257 = arith.constant 0 : i32
    %dma_start3A_1258 = tpu.memref_slice %arg4[%add3A_1251, %dma_start3A_1257] : memref<16384x96xf32, #tpu.memory_space<hbm>> -> memref<128x96xf32, #tpu.memory_space<hbm>>
    %dma_start3A_1259 = arith.constant 256 : i32
    %dma_start3A_1260 = arith.constant 0 : i32
    %dma_start3A_1261 = tpu.memref_slice %arg9[%dma_start3A_1259, %dma_start3A_1260] : memref<512x96xf32, #tpu.memory_space<vmem>> -> memref<128x96xf32, #tpu.memory_space<vmem>>
    tpu.enqueue_dma source(%dma_start3A_1261 : memref<128x96xf32, #tpu.memory_space<vmem>>) target(%dma_start3A_1258 : memref<128x96xf32, #tpu.memory_space<hbm>>) target_semaphore(%arg12 : memref<!tpu.dma_semaphore, #tpu.memory_space<semaphore_mem>>)
    %dma_wait3A_1262 = arith.constant 3 : i32
    %dma_wait3A_1263 = arith.constant 1 : i32
    %dma_wait3A_1264 = arith.constant 0 : i32
    %dma_wait3A_1265 = arith.constant 0 : i32
    %dma_wait3A_1266 = tpu.memref_slice %arg8[%dma_wait3A_1263, %dma_wait3A_1264, %dma_wait3A_1265] : memref<2x128x128xf32, #tpu.memory_space<vmem>> -> memref<1x128x128xf32, #tpu.memory_space<vmem>>
    %dma_wait3A_1267 = tpu.memref_squeeze %dma_wait3A_1266 : memref<1x128x128xf32, #tpu.memory_space<vmem>> -> memref<128x128xf32, #tpu.memory_space<vmem>>
    %dma_wait3A_1268 = arith.constant 0 : i32
    %dma_wait3A_1269 = tpu.memref_slice %arg6[%dma_wait3A_1262, %dma_wait3A_1268] : memref<4x128xi32, #tpu.memory_space<vmem>> -> memref<1x128xi32, #tpu.memory_space<vmem>>
    %dma_wait3A_1270 = tpu.memref_squeeze %dma_wait3A_1269 : memref<1x128xi32, #tpu.memory_space<vmem>> -> memref<128xi32, #tpu.memory_space<vmem>>
    %dma_wait3A_1271 = arith.constant 0 : i32
    %dma_wait3A_1272 = arith.constant 0 : i32
    %dma_wait3A_1273 = tpu.memref_slice %arg7[%dma_wait3A_1271, %dma_wait3A_1272] : memref<294x128xf32, #tpu.memory_space<vmem_shared>> -> memref<294x128xf32, #tpu.memory_space<vmem_shared>>
    tpu.wait_indirect_dma semaphore(%arg10 : memref<!tpu.dma_semaphore, #tpu.memory_space<semaphore_mem>>) src(%dma_wait3A_1273 : memref<294x128xf32, #tpu.memory_space<vmem_shared>>) dst(%dma_wait3A_1267 : memref<128x128xf32, #tpu.memory_space<vmem>>)
    %scan3A_1274 = arith.constant 0 : i32
    %scan3A_1275 = arith.constant 128 : i32
    %scan3A_1276 = arith.addi %scan3A_1274, %scan3A_1275 : i32
    %scan3A_1277 = arith.constant 1 : i32
    scf.for %scan3A_1331 = %scan3A_1274 to %scan3A_1276 step %scan3A_1277  : i32 {
      %mul3A_1332 = arith.constant 1 : i32
      %mul3A_1333 = arith.muli %scan3A_1331, %mul3A_1332 : i32
      %add3A_1334 = arith.constant 0 : i32
      %add3A_1335 = arith.addi %add3A_1334, %mul3A_1333 : i32
      %get3A_1336 = arith.constant 1 : i32
      %get3A_1337 = arith.index_cast %get3A_1336 : i32 to index
      %get3A_1338 = arith.index_cast %add3A_1335 : i32 to index
      %get3A_1339 = arith.constant 0 : index
      %get3A_1340 = tpu.vector_load %arg8[%get3A_1337, %get3A_1338, %get3A_1339] {strides = array<i32>} : memref<2x128x128xf32, #tpu.memory_space<vmem>>, vector<1x1x16xf32>,
      %get3A_1341 = vector.shape_cast %get3A_1340 : vector<1x1x16xf32> to vector<16xf32>
      %add3A_1342 = arith.constant 384 : i32
      %add3A_1343 = arith.addi %add3A_1342, %add3A_1335 : i32
      %swap3A_1344 = arith.index_cast %add3A_1343 : i32 to index
      %swap3A_1345 = arith.constant 0 : index
      %swap3A_1346 = tpu.vector_load %arg9[%swap3A_1344, %swap3A_1345] {strides = array<i32>} : memref<512x96xf32, #tpu.memory_space<vmem>>, vector<1x16xf32>,
      %swap3A_1347 = vector.shape_cast %swap3A_1346 : vector<1x16xf32> to vector<16xf32>
      %swap3A_1348 = vector.shape_cast %get3A_1341 : vector<16xf32> to vector<1x16xf32>
      tpu.vector_store %arg9[%swap3A_1344, %swap3A_1345], %swap3A_1348 {strides = array<i32>} : memref<512x96xf32, #tpu.memory_space<vmem>>, vector<1x16xf32>,
      %get3A_1349 = arith.constant 1 : i32
      %get3A_1350 = arith.index_cast %get3A_1349 : i32 to index
      %get3A_1351 = arith.index_cast %add3A_1335 : i32 to index
      %get3A_1352 = arith.constant 16 : index
      %get3A_1353 = tpu.vector_load %arg8[%get3A_1350, %get3A_1351, %get3A_1352] {strides = array<i32>} : memref<2x128x128xf32, #tpu.memory_space<vmem>>, vector<1x1x16xf32>,
      %get3A_1354 = vector.shape_cast %get3A_1353 : vector<1x1x16xf32> to vector<16xf32>
      %add3A_1355 = arith.constant 384 : i32
      %add3A_1356 = arith.addi %add3A_1355, %add3A_1335 : i32
      %swap3A_1357 = arith.index_cast %add3A_1356 : i32 to index
      %swap3A_1358 = arith.constant 16 : index
      %swap3A_1359 = tpu.vector_load %arg9[%swap3A_1357, %swap3A_1358] {strides = array<i32>} : memref<512x96xf32, #tpu.memory_space<vmem>>, vector<1x16xf32>,
      %swap3A_1360 = vector.shape_cast %swap3A_1359 : vector<1x16xf32> to vector<16xf32>
      %swap3A_1361 = vector.shape_cast %get3A_1354 : vector<16xf32> to vector<1x16xf32>
      tpu.vector_store %arg9[%swap3A_1357, %swap3A_1358], %swap3A_1361 {strides = array<i32>} : memref<512x96xf32, #tpu.memory_space<vmem>>, vector<1x16xf32>,
      %get3A_1362 = arith.constant 1 : i32
      %get3A_1363 = arith.index_cast %get3A_1362 : i32 to index
      %get3A_1364 = arith.index_cast %add3A_1335 : i32 to index
      %get3A_1365 = arith.constant 32 : index
      %get3A_1366 = tpu.vector_load %arg8[%get3A_1363, %get3A_1364, %get3A_1365] {strides = array<i32>} : memref<2x128x128xf32, #tpu.memory_space<vmem>>, vector<1x1x16xf32>,
      %get3A_1367 = vector.shape_cast %get3A_1366 : vector<1x1x16xf32> to vector<16xf32>
      %add3A_1368 = arith.constant 384 : i32
      %add3A_1369 = arith.addi %add3A_1368, %add3A_1335 : i32
      %swap3A_1370 = arith.index_cast %add3A_1369 : i32 to index
      %swap3A_1371 = arith.constant 32 : index
      %swap3A_1372 = tpu.vector_load %arg9[%swap3A_1370, %swap3A_1371] {strides = array<i32>} : memref<512x96xf32, #tpu.memory_space<vmem>>, vector<1x16xf32>,
      %swap3A_1373 = vector.shape_cast %swap3A_1372 : vector<1x16xf32> to vector<16xf32>
      %swap3A_1374 = vector.shape_cast %get3A_1367 : vector<16xf32> to vector<1x16xf32>
      tpu.vector_store %arg9[%swap3A_1370, %swap3A_1371], %swap3A_1374 {strides = array<i32>} : memref<512x96xf32, #tpu.memory_space<vmem>>, vector<1x16xf32>,
      %get3A_1375 = arith.constant 1 : i32
      %get3A_1376 = arith.index_cast %get3A_1375 : i32 to index
      %get3A_1377 = arith.index_cast %add3A_1335 : i32 to index
      %get3A_1378 = arith.constant 48 : index
      %get3A_1379 = tpu.vector_load %arg8[%get3A_1376, %get3A_1377, %get3A_1378] {strides = array<i32>} : memref<2x128x128xf32, #tpu.memory_space<vmem>>, vector<1x1x16xf32>,
      %get3A_1380 = vector.shape_cast %get3A_1379 : vector<1x1x16xf32> to vector<16xf32>
      %add3A_1381 = arith.constant 384 : i32
      %add3A_1382 = arith.addi %add3A_1381, %add3A_1335 : i32
      %swap3A_1383 = arith.index_cast %add3A_1382 : i32 to index
      %swap3A_1384 = arith.constant 48 : index
      %swap3A_1385 = tpu.vector_load %arg9[%swap3A_1383, %swap3A_1384] {strides = array<i32>} : memref<512x96xf32, #tpu.memory_space<vmem>>, vector<1x16xf32>,
      %swap3A_1386 = vector.shape_cast %swap3A_1385 : vector<1x16xf32> to vector<16xf32>
      %swap3A_1387 = vector.shape_cast %get3A_1380 : vector<16xf32> to vector<1x16xf32>
      tpu.vector_store %arg9[%swap3A_1383, %swap3A_1384], %swap3A_1387 {strides = array<i32>} : memref<512x96xf32, #tpu.memory_space<vmem>>, vector<1x16xf32>,
      %get3A_1388 = arith.constant 1 : i32
      %get3A_1389 = arith.index_cast %get3A_1388 : i32 to index
      %get3A_1390 = arith.index_cast %add3A_1335 : i32 to index
      %get3A_1391 = arith.constant 64 : index
      %get3A_1392 = tpu.vector_load %arg8[%get3A_1389, %get3A_1390, %get3A_1391] {strides = array<i32>} : memref<2x128x128xf32, #tpu.memory_space<vmem>>, vector<1x1x16xf32>,
      %get3A_1393 = vector.shape_cast %get3A_1392 : vector<1x1x16xf32> to vector<16xf32>
      %add3A_1394 = arith.constant 384 : i32
      %add3A_1395 = arith.addi %add3A_1394, %add3A_1335 : i32
      %swap3A_1396 = arith.index_cast %add3A_1395 : i32 to index
      %swap3A_1397 = arith.constant 64 : index
      %swap3A_1398 = tpu.vector_load %arg9[%swap3A_1396, %swap3A_1397] {strides = array<i32>} : memref<512x96xf32, #tpu.memory_space<vmem>>, vector<1x16xf32>,
      %swap3A_1399 = vector.shape_cast %swap3A_1398 : vector<1x16xf32> to vector<16xf32>
      %swap3A_1400 = vector.shape_cast %get3A_1393 : vector<16xf32> to vector<1x16xf32>
      tpu.vector_store %arg9[%swap3A_1396, %swap3A_1397], %swap3A_1400 {strides = array<i32>} : memref<512x96xf32, #tpu.memory_space<vmem>>, vector<1x16xf32>,
      %get3A_1401 = arith.constant 1 : i32
      %get3A_1402 = arith.index_cast %get3A_1401 : i32 to index
      %get3A_1403 = arith.index_cast %add3A_1335 : i32 to index
      %get3A_1404 = arith.constant 80 : index
      %get3A_1405 = tpu.vector_load %arg8[%get3A_1402, %get3A_1403, %get3A_1404] {strides = array<i32>} : memref<2x128x128xf32, #tpu.memory_space<vmem>>, vector<1x1x16xf32>,
      %get3A_1406 = vector.shape_cast %get3A_1405 : vector<1x1x16xf32> to vector<16xf32>
      %add3A_1407 = arith.constant 384 : i32
      %add3A_1408 = arith.addi %add3A_1407, %add3A_1335 : i32
      %swap3A_1409 = arith.index_cast %add3A_1408 : i32 to index
      %swap3A_1410 = arith.constant 80 : index
      %swap3A_1411 = tpu.vector_load %arg9[%swap3A_1409, %swap3A_1410] {strides = array<i32>} : memref<512x96xf32, #tpu.memory_space<vmem>>, vector<1x16xf32>,
      %swap3A_1412 = vector.shape_cast %swap3A_1411 : vector<1x16xf32> to vector<16xf32>
      %swap3A_1413 = vector.shape_cast %get3A_1406 : vector<16xf32> to vector<1x16xf32>
      tpu.vector_store %arg9[%swap3A_1409, %swap3A_1410], %swap3A_1413 {strides = array<i32>} : memref<512x96xf32, #tpu.memory_space<vmem>>, vector<1x16xf32>,
    }
    %scan3A_1278 = arith.constant 128 : i32
    %add3A_1279 = arith.constant 384 : i32
    %add3A_1280 = arith.addi %mul3A_4, %add3A_1279 : i32
    %dma_start3A_1281 = arith.constant 384 : i32
    %dma_start3A_1282 = arith.constant 0 : i32
    %dma_start3A_1283 = tpu.memref_slice %arg9[%dma_start3A_1281, %dma_start3A_1282] : memref<512x96xf32, #tpu.memory_space<vmem>> -> memref<128x96xf32, #tpu.memory_space<vmem>>
    %dma_start3A_1284 = arith.constant 0 : i32
    %dma_start3A_1285 = tpu.memref_slice %arg4[%add3A_1280, %dma_start3A_1284] : memref<16384x96xf32, #tpu.memory_space<hbm>> -> memref<128x96xf32, #tpu.memory_space<hbm>>
    %dma_start3A_1286 = arith.constant 0 : i32
    %dma_start3A_1287 = tpu.memref_slice %arg4[%add3A_1280, %dma_start3A_1286] : memref<16384x96xf32, #tpu.memory_space<hbm>> -> memref<128x96xf32, #tpu.memory_space<hbm>>
    %dma_start3A_1288 = arith.constant 384 : i32
    %dma_start3A_1289 = arith.constant 0 : i32
    %dma_start3A_1290 = tpu.memref_slice %arg9[%dma_start3A_1288, %dma_start3A_1289] : memref<512x96xf32, #tpu.memory_space<vmem>> -> memref<128x96xf32, #tpu.memory_space<vmem>>
    tpu.enqueue_dma source(%dma_start3A_1290 : memref<128x96xf32, #tpu.memory_space<vmem>>) target(%dma_start3A_1287 : memref<128x96xf32, #tpu.memory_space<hbm>>) target_semaphore(%arg12 : memref<!tpu.dma_semaphore, #tpu.memory_space<semaphore_mem>>)
    %dma_wait3A_1291 = arith.constant 0 : i32
    %dma_wait3A_1292 = arith.constant 0 : i32
    %dma_wait3A_1293 = tpu.memref_slice %arg9[%dma_wait3A_1291, %dma_wait3A_1292] : memref<512x96xf32, #tpu.memory_space<vmem>> -> memref<128x96xf32, #tpu.memory_space<vmem>>
    %dma_wait3A_1294 = arith.constant 0 : i32
    %dma_wait3A_1295 = tpu.memref_slice %arg4[%add3A_1169, %dma_wait3A_1294] : memref<16384x96xf32, #tpu.memory_space<hbm>> -> memref<128x96xf32, #tpu.memory_space<hbm>>
    %dma_wait3A_1296 = arith.constant 0 : i32
    %dma_wait3A_1297 = tpu.memref_slice %arg4[%add3A_1169, %dma_wait3A_1296] : memref<16384x96xf32, #tpu.memory_space<hbm>> -> memref<128x96xf32, #tpu.memory_space<hbm>>
    %dma_wait3A_1298 = arith.constant 0 : i32
    %dma_wait3A_1299 = arith.constant 0 : i32
    %dma_wait3A_1300 = tpu.memref_slice %arg9[%dma_wait3A_1298, %dma_wait3A_1299] : memref<512x96xf32, #tpu.memory_space<vmem>> -> memref<128x96xf32, #tpu.memory_space<vmem>>
    tpu.wait_dma2 semaphore(%arg12 : memref<!tpu.dma_semaphore, #tpu.memory_space<semaphore_mem>>) src(%dma_wait3A_1300 : memref<128x96xf32, #tpu.memory_space<vmem>>) dst(%dma_wait3A_1297 : memref<128x96xf32, #tpu.memory_space<hbm>>)
    %dma_wait3A_1301 = arith.constant 128 : i32
    %dma_wait3A_1302 = arith.constant 0 : i32
    %dma_wait3A_1303 = tpu.memref_slice %arg9[%dma_wait3A_1301, %dma_wait3A_1302] : memref<512x96xf32, #tpu.memory_space<vmem>> -> memref<128x96xf32, #tpu.memory_space<vmem>>
    %dma_wait3A_1304 = arith.constant 0 : i32
    %dma_wait3A_1305 = tpu.memref_slice %arg4[%add3A_1210, %dma_wait3A_1304] : memref<16384x96xf32, #tpu.memory_space<hbm>> -> memref<128x96xf32, #tpu.memory_space<hbm>>
    %dma_wait3A_1306 = arith.constant 0 : i32
    %dma_wait3A_1307 = tpu.memref_slice %arg4[%add3A_1210, %dma_wait3A_1306] : memref<16384x96xf32, #tpu.memory_space<hbm>> -> memref<128x96xf32, #tpu.memory_space<hbm>>
    %dma_wait3A_1308 = arith.constant 128 : i32
    %dma_wait3A_1309 = arith.constant 0 : i32
    %dma_wait3A_1310 = tpu.memref_slice %arg9[%dma_wait3A_1308, %dma_wait3A_1309] : memref<512x96xf32, #tpu.memory_space<vmem>> -> memref<128x96xf32, #tpu.memory_space<vmem>>
    tpu.wait_dma2 semaphore(%arg12 : memref<!tpu.dma_semaphore, #tpu.memory_space<semaphore_mem>>) src(%dma_wait3A_1310 : memref<128x96xf32, #tpu.memory_space<vmem>>) dst(%dma_wait3A_1307 : memref<128x96xf32, #tpu.memory_space<hbm>>)
    %dma_wait3A_1311 = arith.constant 256 : i32
    %dma_wait3A_1312 = arith.constant 0 : i32
    %dma_wait3A_1313 = tpu.memref_slice %arg9[%dma_wait3A_1311, %dma_wait3A_1312] : memref<512x96xf32, #tpu.memory_space<vmem>> -> memref<128x96xf32, #tpu.memory_space<vmem>>
    %dma_wait3A_1314 = arith.constant 0 : i32
    %dma_wait3A_1315 = tpu.memref_slice %arg4[%add3A_1251, %dma_wait3A_1314] : memref<16384x96xf32, #tpu.memory_space<hbm>> -> memref<128x96xf32, #tpu.memory_space<hbm>>
    %dma_wait3A_1316 = arith.constant 0 : i32
    %dma_wait3A_1317 = tpu.memref_slice %arg4[%add3A_1251, %dma_wait3A_1316] : memref<16384x96xf32, #tpu.memory_space<hbm>> -> memref<128x96xf32, #tpu.memory_space<hbm>>
    %dma_wait3A_1318 = arith.constant 256 : i32
    %dma_wait3A_1319 = arith.constant 0 : i32
    %dma_wait3A_1320 = tpu.memref_slice %arg9[%dma_wait3A_1318, %dma_wait3A_1319] : memref<512x96xf32, #tpu.memory_space<vmem>> -> memref<128x96xf32, #tpu.memory_space<vmem>>
    tpu.wait_dma2 semaphore(%arg12 : memref<!tpu.dma_semaphore, #tpu.memory_space<semaphore_mem>>) src(%dma_wait3A_1320 : memref<128x96xf32, #tpu.memory_space<vmem>>) dst(%dma_wait3A_1317 : memref<128x96xf32, #tpu.memory_space<hbm>>)
    %dma_wait3A_1321 = arith.constant 384 : i32
    %dma_wait3A_1322 = arith.constant 0 : i32
    %dma_wait3A_1323 = tpu.memref_slice %arg9[%dma_wait3A_1321, %dma_wait3A_1322] : memref<512x96xf32, #tpu.memory_space<vmem>> -> memref<128x96xf32, #tpu.memory_space<vmem>>
    %dma_wait3A_1324 = arith.constant 0 : i32
    %dma_wait3A_1325 = tpu.memref_slice %arg4[%add3A_1280, %dma_wait3A_1324] : memref<16384x96xf32, #tpu.memory_space<hbm>> -> memref<128x96xf32, #tpu.memory_space<hbm>>
    %dma_wait3A_1326 = arith.constant 0 : i32
    %dma_wait3A_1327 = tpu.memref_slice %arg4[%add3A_1280, %dma_wait3A_1326] : memref<16384x96xf32, #tpu.memory_space<hbm>> -> memref<128x96xf32, #tpu.memory_space<hbm>>
    %dma_wait3A_1328 = arith.constant 384 : i32
    %dma_wait3A_1329 = arith.constant 0 : i32
    %dma_wait3A_1330 = tpu.memref_slice %arg9[%dma_wait3A_1328, %dma_wait3A_1329] : memref<512x96xf32, #tpu.memory_space<vmem>> -> memref<128x96xf32, #tpu.memory_space<vmem>>
    tpu.wait_dma2 semaphore(%arg12 : memref<!tpu.dma_semaphore, #tpu.memory_space<semaphore_mem>>) src(%dma_wait3A_1330 : memref<128x96xf32, #tpu.memory_space<vmem>>) dst(%dma_wait3A_1327 : memref<128x96xf32, #tpu.memory_space<hbm>>)
    return
  }
}

</mosaic_0001>

<sc_bundles>
// kernel: kernel.3.cloned.1.call-start
scs
__scs_entry_jumppad:
0x0: {  	(pc) =	sbr.rel $0x88, $3  }
0x1: {  	(tag) =	ssettag $0x0;
	lr =	simm.s32 $0x1  }
0x2: {  	[smem:$0x3F9D] =	sst lr;
	_ =	strace $0xD0000000  }
0x3: {  	_ = 	snop  }
0x4: {  	_ = 	snop  }
0x5: {  	_ = 	snop  }
0x6: {  	_ = 	snop  }
0x7: {  	_ = 	snop  }
__scs_overlays_trampoline_lowered:
0x8: {  	[smem:$0x3FAC] =	sst s0  }
0x9: {  	[smem:$0x3FAD] =	sst s1  }
0xa: {  	[smem:$0x3FAE] =	sst s2  }
0xb: {  	[smem:$0x3FAF] =	sst s3  }
0xc: {  	[smem:$0x3FB0] =	sst s4  }
0xd: {  	[smem:$0x3FB1] =	sst s5  }
0xe: {  	[smem:$0x3FB2] =	sst s6  }
0xf: {  	[smem:$0x3FB3] =	sst s7  }
0x10: {  	[smem:$0x3FB4] =	sst s8  }
0x11: {  	[smem:$0x3FB5] =	sst s9;
	s0 =	simm.s32 @!p0 $0x0  }
0x12: {  	s1 =	sld [smem:$0x3F9B];
	s0 =	simm.s32 @p0 $0x1  }
0x13: {  	[smem:$0x3FB6] =	sst s0;
	s0 =	simm.s32 @!p1 $0x0  }
0x14: {  	s2 =	sld [smem:$0x3F9A];
	s0 =	simm.s32 @p1 $0x1  }
0x15: {  	[smem:$0x3FB7] =	sst s0;
	s0 =	simm.s32 @!p2 $0x0  }
0x16: {  	s3 =	sld [smem:$0x3FDB];
	s0 =	simm.s32 @p2 $0x1  }
0x17: {  	s4 =	simm.s32 $0x1BF5;
	[smem:$0x3FB9] =	sst s0  }
0x18: {  	s0 =	sld [smem:$0x3F9C];
	_ =	swait.ge [sflag:s4], $0x0  }
0x19: {  	s7 =	sld [smem:$0x3F9D]  }
0x1a: {  	s8 =	sadd.s32 $0xFFFFE003, lr  }
0x1b: {  	s9 =	sadd.s32 $0xFFFFFEF7, lr;
	s5 =	simm.s32 $0xFFFFFFFF;
	p2 =	slt.u32 s8, $0xFFFFF086  }
0x1c: {  	p1 =	slt.u32 s9, $0xF7A;
	s5 =	simm.s32 @!p2 $0x0  }
0x1d: {  	s5 =	simm.s32 @p1 $0x1;
	p0 =	seq.s32 s7, s2  }
0x1e: {  	s7 =	smul.u32 @!p0 $0xF7A, s2;
	p2 =	seq.s32 @!p0 s5, $0x0  }
0x1f: {  	s9 =	smul.u32 $0xF7A, s1;
	s8 =	simm.s32 @!p0 $0x1BF5;
	p2 =	por !p2, p0  }
0x20: {  	[sflag:s8] =	ssyncset.s32 @!p0 $0xFFFFF086;
	s6 =	sadd.s32 @!p0 s3, s7;
	s7 =	simm.s32 @!p0 $0x108  }
0x21: {  	s3 =	sadd.s32 s3, s9;
	s6 =	sadd.s32 @!p0 $0x88, s6;
	s7 =	simm.s32 @p2 $0x1082  }
0x22: {  	[simem:s7], [sflag:s8] =	dma.local @!p0 [hbm:s6], $0xF7A  }
0x23: {  	s9 =	sor.u32 $0xD0000000, s2;
	s6 =	simm.s32 $0x108;
	_ =	swait.ge @!p0 [sflag:s8], $0x0  }
0x24: {  	s3 =	sadd.s32 $0x88, s3;
	s6 =	simm.s32 @!p1 $0x1082;
	[sflag:s4] =	ssyncset.s32 $0xFFFFF086  }
0x25: {  	[simem:s6], [sflag:s4] =	dma.local [hbm:s3], $0xF7A  }
0x26: {  	[smem:$0x3F9D] =	sst s1;
	(tag) =	ssettag s2;
	_ =	strace s9  }
0x27: {  	s1 =	sld [smem:$0x3FAD]  }
0x28: {  	s2 =	sld [smem:$0x3FAE]  }
0x29: {  	s4 =	sld [smem:$0x3FB0]  }
0x2a: {  	p0 =	seq.s32 s5, $0x0;
	s5 =	sld [smem:$0x3FB1]  }
0x2b: {  	s6 =	sld [smem:$0x3FB2]  }
0x2c: {  	s7 =	sld [smem:$0x3FB3]  }
0x2d: {  	s3 =	simm.s32 $0x108;
	s8 =	sld [smem:$0x3FB4]  }
0x2e: {  	s3 =	simm.s32 @!p0 $0x1082;
	s9 =	sld [smem:$0x3FB5]  }
0x2f: {  	lr =	sadd.s32 s0, s3;
	s0 =	sld [smem:$0x3FAC]  }
0x30: {  	s3 =	sld [smem:$0x3FAF]  }
0x31: {  	[smem:$0x3FB8] =	sst s10  }
0x32: {  	s10 =	sld [smem:$0x3FB6];
	_ =	sdelay $0x3  }
0x33: {  	p0 =	seq.s32 s10, $0x1;
	s10 =	sld [smem:$0x3FB8];
	_ =	sdelay $0x3  }
0x34: {  	[smem:$0x3FB8] =	sst s10  }
0x35: {  	s10 =	sld [smem:$0x3FB7];
	_ =	sdelay $0x3  }
0x36: {  	p1 =	seq.s32 s10, $0x1;
	s10 =	sld [smem:$0x3FB8];
	_ =	sdelay $0x3  }
0x37: {  	[smem:$0x3FB8] =	sst s10  }
0x38: {  	s10 =	sld [smem:$0x3FB9]  }
0x39: {  	_ = 	snop;
	(pc) =	sbr.ind lr, $3  }
0x3a: {  	_ = 	snop  }
0x3b: {  	_ = 	snop  }
0x3c: {  	p2 =	seq.s32 s10, $0x1;
	s10 =	sld [smem:$0x3FB8]  }
0x3d: {  	_ =	shalt  }
0x3e: {  	_ =	shalt  }
0x3f: {  	_ =	shalt  }
0x40: {  	_ =	shalt  }
0x41: {  	_ =	shalt  }
0x42: {  	_ =	shalt  }
0x43: {  	_ =	shalt  }
0x44: {  	_ =	shalt  }
0x45: {  	_ =	shalt  }
0x46: {  	_ =	shalt  }
0x47: {  	_ =	shalt  }
0x48: {  	_ =	shalt  }
0x49: {  	_ =	shalt  }
0x4a: {  	_ =	shalt  }
0x4b: {  	_ =	shalt  }
0x4c: {  	_ =	shalt  }
0x4d: {  	_ =	shalt  }
0x4e: {  	_ =	shalt  }
0x4f: {  	_ =	shalt  }
0x50: {  	_ =	shalt  }
0x51: {  	_ =	shalt  }
0x52: {  	_ =	shalt  }
0x53: {  	_ =	shalt  }
0x54: {  	_ =	shalt  }
0x55: {  	_ =	shalt  }
0x56: {  	_ =	shalt  }
0x57: {  	_ =	shalt  }
0x58: {  	_ =	shalt  }
0x59: {  	_ =	shalt  }
0x5a: {  	_ =	shalt  }
0x5b: {  	_ =	shalt  }
0x5c: {  	_ =	shalt  }
0x5d: {  	_ =	shalt  }
0x5e: {  	_ =	shalt  }
0x5f: {  	_ =	shalt  }
0x60: {  	_ =	shalt  }
0x61: {  	_ =	shalt  }
0x62: {  	_ =	shalt  }
0x63: {  	_ =	shalt  }
0x64: {  	_ =	shalt  }
0x65: {  	_ =	shalt  }
0x66: {  	_ =	shalt  }
0x67: {  	_ =	shalt  }
0x68: {  	_ =	shalt  }
0x69: {  	_ =	shalt  }
0x6a: {  	_ =	shalt  }
0x6b: {  	_ =	shalt  }
0x6c: {  	_ =	shalt  }
0x6d: {  	_ =	shalt  }
0x6e: {  	_ =	shalt  }
0x6f: {  	_ =	shalt  }
0x70: {  	_ =	shalt  }
0x71: {  	_ =	shalt  }
0x72: {  	_ =	shalt  }
0x73: {  	_ =	shalt  }
0x74: {  	_ =	shalt  }
0x75: {  	_ =	shalt  }
0x76: {  	_ =	shalt  }
0x77: {  	_ =	shalt  }
0x78: {  	_ =	shalt  }
0x79: {  	_ =	shalt  }
0x7a: {  	_ =	shalt  }
0x7b: {  	_ =	shalt  }
0x7c: {  	_ =	shalt  }
0x7d: {  	_ =	shalt  }
0x7e: {  	_ =	shalt  }
0x7f: {  	_ =	shalt  }
0x80: {  	_ =	shalt  }
0x81: {  	_ =	shalt  }
0x82: {  	_ =	shalt  }
0x83: {  	_ =	shalt  }
0x84: {  	_ =	shalt  }
0x85: {  	_ =	shalt  }
0x86: {  	_ =	shalt  }
0x87: {  	_ =	shalt  }
.Lfunc_end0:
.L_simem_size_0:
called_computation_lowered:
.L_overlay_start_0:
0x88: {  	s2 =	sld [smem:$0x3FD9]  }
0x89: {  	s3 =	sld [smem:$0x3FFE];
	_ =	sdelay $0x1  }
0x8a: {  	s1 =	srdreg.scid  }
0x8b: {  	s0 =	sand.u32 $0x1, s1  }
0x8c: {  	s17 =	sshll.u32 s0, $0xA;
	s2 =	sadd.s32 s3, s2  }
0x8d: {  	s2 =	sadd.s32 s2, s17  }
0x8e: {  	[smem:$0x3FC4] =	sst s2  }
0x8f: {  	_ = 	snop  }
0x90: {  	s2 =	sld [smem:$0x3FD0];
	(tm) =	ssettm $0x1  }
0x91: {  	s18 =	sld [smem:$0x3FFB];
	_ =	sdelay $0x3  }
0x92: {  	_ =	strace s18  }
0x93: {  	s3 =	sld [smem:$0x3FFC];
	_ =	sdelay $0x3  }
0x94: {  	_ =	strace s3  }
0x95: {  	s3 =	sld [smem:$0x3FFD];
	_ =	sdelay $0x3  }
0x96: {  	_ =	strace s3  }
0x97: {  	_ =	strace $0x8FFFFFFF  }
0x98: {  	s19 =	sld [smem:$0x3FDB];
	_ =	sdelay $0x1  }
0x99: {  	s4 =	simm.s32 $_scs_section_size  }
0x9a: {  	s5 =	simm.s32 $_size__tile_overlayer_lowered;
	s6 =	simm.s32 $_tile_overlayer_lowered  }
0x9b: {  	s22 =	simm.s32 $0x1BFF;
	s21 =	sshll.u32 s6, $0x1;
	s3 =	sadd.s32 s4, s19  }
0x9c: {  	s7 =	simm.s32 $0x0;
	s20 =	sshll.u32 s5, $0x1;
	s5 =	sadd.s32 s21, s3  }
0x9d: {  	[timem:s7], [sflag:s22] =	dma.local [hbm:s5], s20  }
0x9e: {  	_ =	swait.ge [sflag:s22], s20  }
0x9f: {  	s4 =	ssub.s32 $0x0, s20;
	[sflag:s22] =	ssyncset.done $0x0  }
0xa0: {  	[sflag:s22] =	ssyncadd.s32 s4;
	_ =	sdelay $0x1  }
0xa1: {  	s23 =	simm.s32 $0x1B8B  }
0xa2: {  	_ =	swait.ge [sflag:s23], $0x1  }
0xa3: {  	[sflag:s23] =	ssyncset.done $0x0  }
0xa4: {  	s25 =	simm.s32 $0x1B8E;
	s24 =	sld [smem:$0x3FFE];
	[sflag:s23] =	ssyncadd.s32 $0xFFFFFFFF  }
0xa5: {  	s26 =	simm.s32 $execute0_lowered;
	[smem:$0x3FD2] =	sst s25  }
0xa6: {  	s5 =	sshll.u32 s26, $0x1;
	_ =	strace $0x80000046;
	[dreg:$0x1] =	wrdreg $0xFFFFFFFF  }
0xa7: {  	s28 =	simm.s32 $_size_execute0_lowered;
	s3 =	sadd.s32 s3, s5;
	[dreg:$0x0] =	wrdreg $0x0  }
0xa8: {  	s5 =	sshll.u32 s28, $0x1;
	[dreg:$0x2] =	wrdreg s3  }
0xa9: {  	[dreg:$0x3] =	wrdreg s5  }
0xaa: {  	[dreg:$0x4] =	wrdreg $0xC0  }
0xab: {  	_ =	task [dreg:s7], $0x5FFFF  }
0xac: {  	[dreg:$0x1] =	wrdreg $0xFFFFFFFF  }
0xad: {  	[dreg:$0x0] =	wrdreg $0x60  }
0xae: {  	[dreg:$0x2] =	wrdreg s2  }
0xaf: {  	[dreg:$0x3] =	wrdreg s24  }
0xb0: {  	[dreg:$0x4] =	wrdreg $0x8000  }
0xb1: {  	[dreg:$0x5] =	wrdreg $0x9  }
0xb2: {  	_ =	task.clear_ibuf [dreg:s7], $0x6FFFF;
	_ =	strace $0x90000046  }
0xb3: {  	s29 =	simm.s32 $0x9;
	_ =	strace $0x80000048  }
0xb4: {  	_ =	swait.ge [sflag:s29], $0x1  }
0xb5: {  	[sflag:s29] =	ssyncadd.s32 $0xFFFFFFFF  }
0xb6: {  	_ =	strace $0x90000048  }
0xb7: {  	_ =	sfence  }
0xb8: {  	s30 =	sld [smem:$0x0];
	_ =	sdelay $0x2  }
0xb9: {  	s31 =	sshll.u32 s1, $0xD;
	s1 =	sshrl.u32 s1, $0x2  }
0xba: {  	s3 =	sand.u32 $0x4000, s31;
	s1 =	sadd.s32 s1, s30  }
0xbb: {  	s0 =	sor.u32 s3, s0;
	s1 =	sshll.u32 s1, $0x11  }
0xbc: {  	s0 =	sor.u32 s1, s0  }
0xbd: {  	s0 =	sadd.s32 $0x8F2B, s0  }
0xbe: {  	[sflag:s0] =	ssyncadd.remote.s32 $0x1  }
0xbf: {  	_ =	sfence.sel $0xFFFF  }
0xc0: {  	[dreg:$0x0] =	wrdreg $0xFFFFFFFF;
	(pc) =	sbr.abs _section_cstart, $3  }
0xc1: {  	[dreg:$0x1] =	wrdreg $0xFFFFFFFF  }
0xc2: {  	_ =	task.clear_ibuf [dreg:s7], $0x2FFFF;
	_ =	strace $0x9FFFFFFF  }
0xc3: {  	(tm) =	ssettm $0x7FFFFFFF  }
tec
execute0_lowered:
.L_overlay_start_1:
0x0: {  	(tag) =	ssettag $0x1  }
0x1: {  	s4 =	rddreg [dreg:$0x0]  }
0x2: {  	s5 =	rddreg [dreg:$0x1]  }
0x3: {  	s1 =	rddreg [dreg:$0x2]  }
0x4: {  	s0 =	rddreg [dreg:$0x3]  }
0x5: {  	s2 =	simm.s32 $0x0;
	s3 =	srdreg.scid;
	s10 =	stileid.u32  }
0x6: {  	s13 =	simm.s32 $0x4;
	s14 =	simm.s32 $0x80;
	s15 =	simm.s32 $0x600  }
0x7: {  	s16 =	simm.s32 $0x1130;
	s17 =	simm.s32 $0x680;
	s18 =	simm.s32 $0x5130  }
0x8: {  	s19 =	simm.s32 $0x1;
	s20 =	simm.s32 $0x9130;
	s21 =	simm.s32 $0x700  }
0x9: {  	s22 =	simm.s32 $0xD130;
	s23 =	simm.s32 $0x780;
	s24 =	simm.s32 $0x11130  }
0xa: {  	s25 =	simm.s32 $0x15130;
	s26 =	simm.s32 $0x3;
	s28 =	simm.s32 $0x0  }
0xb: {  	[smem:$0x7FF] =	sst s2;
	s6 =	sand.u32 $0x1, s3;
	s3 =	sadd.s32 $0x400, s5  }
0xc: {  	s7 =	sshll.u32 s10, $0xE;
	s11 =	sshll.u32 s10, $0x7;
	p0 =	sne.s32 s10, $0x0  }
0xd: {  	_ =	strace $0x80000047;
	s8 =	sshll.u32 s6, $0xD;
	s31 =	ssub.s32 $0x2, s6  }
0xe: {  	s6 =	sshll.u32 s6, $0x6;
	s10 =	sshrl.u32 @!p0 s1, $0x3;
	s7 =	sor.u32 s8, s7  }
0xf: {  	s9 =	sshrl.u32 s31, $0x1;
	s4 =	sadd.s32 s4, s6;
	s12 =	sadd.s32 s7, s5  }
0x10: {  	s9 =	ssub.s32 s31, s9;
	s4 =	sadd.s32 s11, s4;
	s11 =	simm.s32 $0x200  }
0x11: {  	s5 =	sadd.s32 $0x1800, s12;
	s6 =	sadd.s32 $0x2000, s12;
	s7 =	sadd.s32 $0x2800, s12  }
0x12: {  	s8 =	sadd.s32 $0x3000, s12;
	s9 =	smax.u32 s9, $0x1;
	s12 =	simm.s32 $0x4000  }
.LBB2_1:
0x13: {  	s29 =	simm.s32 @!p0 $0x1C02  }
0x14: {  	[spmem:s10], [sflag:s29] =	dma.local @!p0 [hbm:s3], $0x1260  }
0x15: {  	[tilespmem:s2], [sflag:$0x4] =	stream.strided.gather [hbm4b:s4+s11], $0x600, s12, s11, $0x38;
	[tilespmem:$0x19130] =	vst v63  }
0x16: {  	_ =	swait.ge [sflag:s13], $0x600  }
0x17: {  	[sflag:s13] =	ssyncset.done $0x0  }
0x18: {  	[sflag:s13] =	ssyncadd.s32 $0xFFFFFA00  }
0x19: {  	v0 =	vld [tilespmem:$0x0]  }
0x1a: {  	v1 =	vld [tilespmem:$0x200]  }
0x1b: {  	v2 =	vld [tilespmem:$0x400]  }
0x1c: {  	v3 =	vld [tilespmem:$0x10]  }
0x1d: {  	v4 =	vld [tilespmem:$0x210]  }
0x1e: {  	v5 =	vld [tilespmem:$0x410]  }
0x1f: {  	v6 =	vld [tilespmem:$0x20]  }
0x20: {  	v7 =	vld [tilespmem:$0x220]  }
0x21: {  	v8 =	vld [tilespmem:$0x420]  }
0x22: {  	v9 =	vld [tilespmem:$0x30]  }
0x23: {  	v10 =	vld [tilespmem:$0x230]  }
0x24: {  	v11 =	vld [tilespmem:$0x430]  }
0x25: {  	v12 =	vld [tilespmem:$0x40]  }
0x26: {  	v13 =	vld [tilespmem:$0x240]  }
0x27: {  	v14 =	vld [tilespmem:$0x440]  }
0x28: {  	v15 =	vld [tilespmem:$0x50]  }
0x29: {  	v16 =	vld [tilespmem:$0x250]  }
0x2a: {  	v17 =	vld [tilespmem:$0x450]  }
0x2b: {  	v18 =	vld [tilespmem:$0x60]  }
0x2c: {  	v19 =	vld [tilespmem:$0x260]  }
0x2d: {  	v20 =	vld [tilespmem:$0x460]  }
0x2e: {  	v21 =	vld [tilespmem:$0x70]  }
0x2f: {  	v22 =	vld [tilespmem:$0x270]  }
0x30: {  	v23 =	vld [tilespmem:$0x470]  }
0x31: {  	v24 =	vld [tilespmem:$0x80]  }
0x32: {  	v25 =	vld [tilespmem:$0x280]  }
0x33: {  	v26 =	vld [tilespmem:$0x480]  }
0x34: {  	v27 =	vld [tilespmem:$0x90]  }
0x35: {  	v28 =	vld [tilespmem:$0x290]  }
0x36: {  	v29 =	vld [tilespmem:$0x490]  }
0x37: {  	v30 =	vld [tilespmem:$0xA0]  }
0x38: {  	v31 =	vld [tilespmem:$0x2A0]  }
0x39: {  	v32 =	vld [tilespmem:$0x4A0]  }
0x3a: {  	v33 =	vld [tilespmem:$0xB0]  }
0x3b: {  	v34 =	vld [tilespmem:$0x2B0]  }
0x3c: {  	v35 =	vld [tilespmem:$0x4B0]  }
0x3d: {  	v36 =	vld [tilespmem:$0xC0]  }
0x3e: {  	v37 =	vld [tilespmem:$0x2C0]  }
0x3f: {  	v38 =	vld [tilespmem:$0x4C0]  }
0x40: {  	v39 =	vld [tilespmem:$0xD0]  }
0x41: {  	v40 =	vld [tilespmem:$0x2D0]  }
0x42: {  	v41 =	vld [tilespmem:$0x4D0]  }
0x43: {  	v42 =	vld [tilespmem:$0xE0]  }
0x44: {  	v43 =	vld [tilespmem:$0x2E0]  }
0x45: {  	v44 =	vld [tilespmem:$0x4E0]  }
0x46: {  	v45 =	vld [tilespmem:$0xF0]  }
0x47: {  	v46 =	vld [tilespmem:$0x2F0]  }
0x48: {  	v47 =	vld [tilespmem:$0x4F0]  }
0x49: {  	v48 =	vld [tilespmem:$0x100]  }
0x4a: {  	v49 =	vld [tilespmem:$0x300]  }
0x4b: {  	v50 =	vld [tilespmem:$0x500]  }
0x4c: {  	v51 =	vld [tilespmem:$0x110]  }
0x4d: {  	v52 =	vld [tilespmem:$0x310]  }
0x4e: {  	v53 =	vld [tilespmem:$0x510]  }
0x4f: {  	v54 =	vld [tilespmem:$0x120]  }
0x50: {  	v55 =	vld [tilespmem:$0x320]  }
0x51: {  	v57 =	vld [tilespmem:$0x130]  }
0x52: {  	v58 =	vld [tilespmem:$0x330];
	v56 =	vmul.u32 $0x93, v0;
	v1 =	vmul.u32 $0x15, v1;
	v3 =	vmul.u32 $0x93, v3  }
0x53: {  	v0 =	vld [tilespmem:$0x520];
	v4 =	vmul.u32 $0x15, v4;
	v6 =	vmul.u32 $0x93, v6;
	v7 =	vmul.u32 $0x15, v7  }
0x54: {  	v62 =	vmul.u32 $0x15, v10;
	v63 =	vmul.u32 $0x93, v12;
	v12 =	vld [tilespmem:$0x140];
	v13 =	vmul.u32 $0x15, v13  }
0x55: {  	v15 =	vmul.u32 $0x93, v15;
	v16 =	vmul.u32 $0x15, v16;
	v61 =	vmul.u32 $0x15, v19;
	v19 =	vld [tilespmem:$0x570]  }
0x56: {  	v60 =	vmul.u32 $0x93, v18;
	v24 =	vmul.u32 $0x93, v24;
	v25 =	vmul.u32 $0x15, v25;
	v18 =	vld [tilespmem:$0x580]  }
0x57: {  	v37 =	vmul.u32 $0x15, v37;
	v3 =	vadd.s32 v3, v4;
	v4 =	vadd.s32 v6, v7;
	v6 =	vld [tilespmem:$0x530]  }
0x58: {  	v39 =	vmul.u32 $0x93, v39;
	v1 =	vadd.s32 v56, v1;
	v7 =	vmul.u32 $0x93, v9;
	v56 =	vld [tilespmem:$0x340]  }
0x59: {  	v59 =	vadd.s32 v15, v16;
	v9 =	vld [tilespmem:$0x150];
	v10 =	vadd.s32 v60, v61;
	v60 =	vmul.u32 $0x93, v30  }
0x5a: {  	v16 =	vld [tilespmem:$0x350];
	v61 =	vmul.u32 $0x15, v31;
	v1 =	vadd.s32 v2, v1;
	v2 =	vadd.s32 v5, v3  }
0x5b: {  	v15 =	vld [tilespmem:$0x360];
	v3 =	vadd.s32 v8, v4;
	v8 =	vadd.s32 v17, v59;
	v17 =	vmul.u32 $0x93, v27  }
0x5c: {  	v4 =	vld [tilespmem:$0x540];
	v59 =	vmul.u32 $0x15, v28;
	v5 =	vadd.s32 v7, v62;
	v7 =	vadd.s32 v63, v13;
	[tilespmem:$0x600] =	vst v1  }
0x5d: {  	v28 =	vld [tilespmem:$0x170];
	v62 =	vmul.u32 $0x93, v21;
	v63 =	vmul.u32 $0x15, v22;
	v1 =	vadd.s32 v20, v10;
	[tilespmem:$0x610] =	vst v2  }
0x5e: {  	v27 =	vld [tilespmem:$0x380];
	[tilespmem:$0x620] =	vst v3;
	v3 =	vmul.u32 $0x93, v36;
	v5 =	vadd.s32 v11, v5;
	v7 =	vadd.s32 v14, v7  }
0x5f: {  	v22 =	vld [tilespmem:$0x550];
	v14 =	vadd.s32 v24, v25;
	v2 =	vadd.s32 v17, v59;
	[tilespmem:$0x660] =	vst v1;
	v1 =	vmul.u32 $0x93, v45  }
0x60: {  	v21 =	vld [tilespmem:$0x560];
	v12 =	vmul.u32 $0x93, v12;
	v13 =	vadd.s32 v62, v63;
	v62 =	vmul.u32 $0x93, v33  }
0x61: {  	v36 =	vld [tilespmem:$0x590];
	v63 =	vmul.u32 $0x15, v34;
	v33 =	vadd.s32 v60, v61;
	[tilespmem:$0x630] =	vst v5;
	v5 =	vmul.u32 $0x15, v40  }
0x62: {  	v11 =	vld [tilespmem:$0x160];
	v40 =	vmul.u32 $0x93, v42;
	v42 =	vmul.u32 $0x15, v43;
	v2 =	vadd.s32 v29, v2  }
0x63: {  	v24 =	vld [tilespmem:$0x180];
	v3 =	vadd.s32 v3, v37;
	v61 =	vmul.u32 $0x15, v46;
	v31 =	vadd.s32 v23, v13  }
0x64: {  	v45 =	vld [tilespmem:$0x1B0];
	[tilespmem:$0x640] =	vst v7;
	v13 =	vadd.s32 v26, v14;
	v7 =	vadd.s32 v32, v33;
	v33 =	vmul.u32 $0x15, v49  }
0x65: {  	[tilespmem:$0x650] =	vst v8;
	v60 =	vld [tilespmem:$0x190];
	v3 =	vadd.s32 v38, v3;
	v49 =	vmul.u32 $0x15, v16;
	v34 =	vadd.s32 v62, v63  }
0x66: {  	v37 =	vld [tilespmem:$0x1A0];
	[tilespmem:$0x690] =	vst v2;
	v5 =	vadd.s32 v39, v5;
	v59 =	vadd.s32 v40, v42;
	v62 =	vmul.u32 $0x93, v48  }
0x67: {  	v46 =	vld [tilespmem:$0x3B0];
	v1 =	vadd.s32 v1, v61;
	[tilespmem:$0x6A0] =	vst v7;
	v7 =	vmul.u32 $0x93, v54;
	v40 =	vmul.u32 $0x15, v55  }
0x68: {  	v14 =	vld [tilespmem:$0x370];
	[tilespmem:$0x670] =	vst v31;
	v48 =	vmul.u32 $0x93, v9;
	v43 =	vadd.s32 v35, v34;
	v34 =	vmul.u32 $0x93, v51  }
0x69: {  	v63 =	vld [tilespmem:$0x390];
	[tilespmem:$0x680] =	vst v13;
	v35 =	vmul.u32 $0x15, v52;
	v5 =	vadd.s32 v41, v5;
	v8 =	vadd.s32 v44, v59  }
0x6a: {  	v39 =	vld [tilespmem:$0x3A0];
	v41 =	vmul.u32 $0x93, v57;
	v44 =	vmul.u32 $0x15, v56;
	v1 =	vadd.s32 v47, v1;
	[tilespmem:$0x6B0] =	vst v43  }
0x6b: {  	v42 =	vld [tilespmem:$0x5A0];
	v51 =	vmul.u32 $0x93, v28;
	v2 =	vadd.s32 v62, v33;
	v43 =	vmul.u32 $0x15, v58;
	[tilespmem:$0x6D0] =	vst v5  }
0x6c: {  	v55 =	vld [tilespmem:$0x1E0];
	v5 =	vadd.s32 v7, v40;
	v11 =	vmul.u32 $0x93, v11;
	[tilespmem:$0x6F0] =	vst v1;
	v1 =	vmul.u32 $0x15, v15  }
0x6d: {  	[tilespmem:$0x6C0] =	vst v3;
	v61 =	vld [tilespmem:$0x3F0];
	v38 =	vadd.s32 v34, v35;
	v2 =	vadd.s32 v50, v2;
	v12 =	vadd.s32 v12, v44  }
0x6e: {  	v47 =	vld [tilespmem:$0x5B0];
	[tilespmem:$0x6E0] =	vst v8;
	v0 =	vadd.s32 v0, v5;
	v54 =	vmul.u32 $0x93, v60;
	v56 =	vmul.u32 $0x93, v37  }
0x6f: {  	v52 =	vld [tilespmem:$0x3C0];
	v59 =	vmul.u32 $0x15, v46;
	v3 =	vadd.s32 v53, v38;
	v7 =	vadd.s32 v41, v43;
	[tilespmem:$0x700] =	vst v2  }
0x70: {  	v58 =	vld [tilespmem:$0x3E0];
	v14 =	vmul.u32 $0x15, v14;
	v4 =	vadd.s32 v4, v12;
	v1 =	vadd.s32 v11, v1;
	[tilespmem:$0x710] =	vst v3  }
0x71: {  	v50 =	vld [tilespmem:$0x1C0];
	v53 =	vmul.u32 $0x15, v27;
	v2 =	vadd.s32 v6, v7;
	v3 =	vadd.s32 v48, v49;
	[tilespmem:$0x740] =	vst v4  }
0x72: {  	v7 =	vld [tilespmem:$0x1D0];
	v4 =	vmul.u32 $0x15, v63;
	v6 =	vadd.s32 v51, v14;
	[tilespmem:$0x730] =	vst v2;
	v2 =	vmul.u32 $0x93, v24  }
0x73: {  	[tilespmem:$0x720] =	vst v0;
	v57 =	vmul.u32 $0x15, v39;
	v0 =	vadd.s32 v22, v3;
	v3 =	vadd.s32 v19, v6;
	v6 =	vld [tilespmem:$0x3D0]  }
0x74: {  	v5 =	vld [tilespmem:$0x5C0];
	v1 =	vadd.s32 v21, v1;
	[tilespmem:$0x750] =	vst v0;
	v0 =	vadd.s32 v2, v53;
	v2 =	vmul.u32 $0x93, v45  }
0x75: {  	v60 =	vld [tilespmem:$0x1F0];
	[tilespmem:$0x760] =	vst v1;
	v62 =	vmul.u32 $0x15, v52;
	v1 =	vadd.s32 v54, v4;
	v4 =	vadd.s32 v56, v57  }
0x76: {  	v63 =	vld [tilespmem:$0x5D0];
	[tilespmem:$0x770] =	vst v3;
	v3 =	vmul.u32 $0x93, v50;
	v0 =	vadd.s32 v18, v0;
	v2 =	vadd.s32 v2, v59  }
0x77: {  	[tilespmem:$0x780] =	vst v0;
	v0 =	vadd.s32 v36, v1;
	v1 =	vadd.s32 v42, v4;
	v4 =	vld [tilespmem:$0x5E0];
	v2 =	vadd.s32 v47, v2  }
0x78: {  	[tilespmem:$0x790] =	vst v0;
	v0 =	vadd.s32 v3, v62;
	v3 =	vmul.u32 $0x93, v7;
	v7 =	vld [tilespmem:$0x5F0];
	v6 =	vmul.u32 $0x15, v6  }
0x79: {  	[tilespmem:$0x7A0] =	vst v1;
	v1 =	vmul.u32 $0x93, v55;
	v0 =	vadd.s32 v5, v0;
	v5 =	vmul.u32 $0x15, v58  }
0x7a: {  	[tilespmem:$0x7B0] =	vst v2;
	v2 =	vadd.s32 v3, v6;
	v3 =	vmul.u32 $0x93, v60;
	v6 =	vmul.u32 $0x15, v61  }
0x7b: {  	[tilespmem:$0x7C0] =	vst v0;
	v1 =	vadd.s32 v1, v5;
	v0 =	vadd.s32 v63, v2  }
0x7c: {  	[tilespmem:$0x7D0] =	vst v0;
	v0 =	vadd.s32 v4, v1;
	v1 =	vadd.s32 v3, v6  }
0x7d: {  	[tilespmem:$0x7E0] =	vst v0;
	v0 =	vadd.s32 v7, v1  }
0x7e: {  	s29 =	simm.s32 @!p0 $0x2;
	[tilespmem:$0x7F0] =	vst v0  }
0x7f: {  	_ =	swait.ge @!p0 [sflag:s29], $0x1260  }
0x80: {  	[sflag:s29] =	ssyncset.done @!p0 $0x0  }
0x81: {  	[sflag:s29] =	ssyncadd.s32 @!p0 $0xFFFFEDA0  }
0x82: {  	[bflag:$0x0] =	sbarrier.arrive $0xFFFF  }
0x83: {  	[tilespmem:s16], [sflag:$0x1] =	stream.indirect.gather [spmem:s1], $0x80, s15, s14, $0xb8;
	[tilespmem:$0x19130] =	vst v63  }
0x84: {  	_ = 	snop  }
0x85: {  	[tilespmem:s18], [sflag:$0x1] =	stream.indirect.gather [spmem:s1], $0x80, s17, s14, $0xb8;
	[tilespmem:$0x19130] =	vst v63  }
0x86: {  	_ =	swait.ge [sflag:s19], $0x4000  }
0x87: {  	[sflag:s19] =	ssyncset.done $0x0  }
0x88: {  	s29 =	simm.s32 $0x0;
	[sflag:s19] =	ssyncadd.s32 $0xFFFFC000  }
0x89: {  	v0 =	vld [tilespmem:s29+$0x1180]  }
0x8a: {  	v1 =	vld [tilespmem:s29+$0x1130]  }
0x8b: {  	v2 =	vld [tilespmem:s29+$0x1140]  }
0x8c: {  	v3 =	vld [tilespmem:s29+$0x1150]  }
0x8d: {  	s30 =	simm.s32 $0x200;
	v4 =	vld [tilespmem:s29+$0x1160]  }
.LBB2_2:
0x8e: {  	s31 =	sshra.s32 s30, $0x2;
	p1 =	sne.s32 s30, $0xFE00;
	s30 =	sadd.s32 $0x200, s30;
	v5 =	vld [tilespmem:s29+$0x1170];
	[tilespmem:s29+$0x9180] =	vst v0  }
.Ltmp0:
0x8f: {  	v0 =	vld [tilespmem:s31+$0x1180];
	[tilespmem:s29+$0x9130] =	vst v1;
	(pc) =	sbr.rel @p1 .LBB2_2-.Ltmp0, $4  }
0x90: {  	v1 =	vld [tilespmem:s31+$0x1130];
	[tilespmem:s29+$0x9140] =	vst v2  }
0x91: {  	v2 =	vld [tilespmem:s31+$0x1140];
	[tilespmem:s29+$0x9150] =	vst v3  }
0x92: {  	v3 =	vld [tilespmem:s31+$0x1150];
	[tilespmem:s29+$0x9160] =	vst v4  }
0x93: {  	v4 =	vld [tilespmem:s31+$0x1160];
	[tilespmem:s29+$0x9170] =	vst v5;
	s29 =	smov.u32 s31  }
0x94: {  	v5 =	vld [tilespmem:s29+$0x1170];
	[tilespmem:s29+$0x9180] =	vst v0  }
0x95: {  	[tilespmem:s29+$0x9130] =	vst v1  }
0x96: {  	[tilespmem:s29+$0x9140] =	vst v2  }
0x97: {  	[tilespmem:s29+$0x9150] =	vst v3  }
0x98: {  	[tilespmem:s29+$0x9160] =	vst v4  }
0x99: {  	[tilespmem:s29+$0x9170] =	vst v5;
	s29 =	simm.s32 $0x0  }
0x9a: {  	[hbm4b:s5+s29] =	stream.linear.scatter [tilespmem:s20], [sflag:$0x3], $0x4000, $0x38;
	[tilespmem:$0x19130] =	vst v63  }
0x9b: {  	_ = 	snop  }
0x9c: {  	[tilespmem:s16], [sflag:$0x1] =	stream.indirect.gather [spmem:s1], $0x80, s21, s14, $0xb8;
	[tilespmem:$0x19130] =	vst v63  }
0x9d: {  	_ =	swait.ge [sflag:s19], $0x4000  }
0x9e: {  	[sflag:s19] =	ssyncset.done $0x0  }
0x9f: {  	s29 =	simm.s32 $0x0;
	[sflag:s19] =	ssyncadd.s32 $0xFFFFC000  }
0xa0: {  	v0 =	vld [tilespmem:s29+$0x5180]  }
0xa1: {  	v1 =	vld [tilespmem:s29+$0x5130]  }
0xa2: {  	v2 =	vld [tilespmem:s29+$0x5140]  }
0xa3: {  	v3 =	vld [tilespmem:s29+$0x5150]  }
0xa4: {  	s30 =	simm.s32 $0x200;
	v4 =	vld [tilespmem:s29+$0x5160]  }
.LBB2_4:
0xa5: {  	s31 =	sshra.s32 s30, $0x2;
	p1 =	sne.s32 s30, $0xFE00;
	s30 =	sadd.s32 $0x200, s30;
	v5 =	vld [tilespmem:s29+$0x5170];
	[tilespmem:s29+$0xD180] =	vst v0  }
.Ltmp1:
0xa6: {  	v0 =	vld [tilespmem:s31+$0x5180];
	[tilespmem:s29+$0xD130] =	vst v1;
	(pc) =	sbr.rel @p1 .LBB2_4-.Ltmp1, $4  }
0xa7: {  	v1 =	vld [tilespmem:s31+$0x5130];
	[tilespmem:s29+$0xD140] =	vst v2  }
0xa8: {  	v2 =	vld [tilespmem:s31+$0x5140];
	[tilespmem:s29+$0xD150] =	vst v3  }
0xa9: {  	v3 =	vld [tilespmem:s31+$0x5150];
	[tilespmem:s29+$0xD160] =	vst v4  }
0xaa: {  	v4 =	vld [tilespmem:s31+$0x5160];
	[tilespmem:s29+$0xD170] =	vst v5;
	s29 =	smov.u32 s31  }
0xab: {  	v5 =	vld [tilespmem:s29+$0x5170];
	[tilespmem:s29+$0xD180] =	vst v0  }
0xac: {  	[tilespmem:s29+$0xD130] =	vst v1  }
0xad: {  	[tilespmem:s29+$0xD140] =	vst v2  }
0xae: {  	[tilespmem:s29+$0xD150] =	vst v3  }
0xaf: {  	[tilespmem:s29+$0xD160] =	vst v4  }
0xb0: {  	[tilespmem:s29+$0xD170] =	vst v5;
	s29 =	simm.s32 $0x0  }
0xb1: {  	[hbm4b:s6+s29] =	stream.linear.scatter [tilespmem:s22], [sflag:$0x3], $0x4000, $0x38;
	[tilespmem:$0x19130] =	vst v63  }
0xb2: {  	_ = 	snop  }
0xb3: {  	[tilespmem:s18], [sflag:$0x1] =	stream.indirect.gather [spmem:s1], $0x80, s23, s14, $0xb8;
	[tilespmem:$0x19130] =	vst v63  }
0xb4: {  	_ =	swait.ge [sflag:s19], $0x4000  }
0xb5: {  	[sflag:s19] =	ssyncset.done $0x0  }
0xb6: {  	s29 =	simm.s32 $0x0;
	[sflag:s19] =	ssyncadd.s32 $0xFFFFC000  }
0xb7: {  	v0 =	vld [tilespmem:s29+$0x1180]  }
0xb8: {  	v1 =	vld [tilespmem:s29+$0x1130]  }
0xb9: {  	v2 =	vld [tilespmem:s29+$0x1140]  }
0xba: {  	v3 =	vld [tilespmem:s29+$0x1150]  }
0xbb: {  	s30 =	simm.s32 $0x200;
	v4 =	vld [tilespmem:s29+$0x1160]  }
.LBB2_6:
0xbc: {  	s31 =	sshra.s32 s30, $0x2;
	p1 =	sne.s32 s30, $0xFE00;
	s30 =	sadd.s32 $0x200, s30;
	v5 =	vld [tilespmem:s29+$0x1170];
	[tilespmem:s29+$0x11180] =	vst v0  }
.Ltmp2:
0xbd: {  	v0 =	vld [tilespmem:s31+$0x1180];
	[tilespmem:s29+$0x11130] =	vst v1;
	(pc) =	sbr.rel @p1 .LBB2_6-.Ltmp2, $4  }
0xbe: {  	v1 =	vld [tilespmem:s31+$0x1130];
	[tilespmem:s29+$0x11140] =	vst v2  }
0xbf: {  	v2 =	vld [tilespmem:s31+$0x1140];
	[tilespmem:s29+$0x11150] =	vst v3  }
0xc0: {  	v3 =	vld [tilespmem:s31+$0x1150];
	[tilespmem:s29+$0x11160] =	vst v4  }
0xc1: {  	v4 =	vld [tilespmem:s31+$0x1160];
	[tilespmem:s29+$0x11170] =	vst v5;
	s29 =	smov.u32 s31  }
0xc2: {  	v5 =	vld [tilespmem:s29+$0x1170];
	[tilespmem:s29+$0x11180] =	vst v0  }
0xc3: {  	[tilespmem:s29+$0x11130] =	vst v1  }
0xc4: {  	[tilespmem:s29+$0x11140] =	vst v2  }
0xc5: {  	[tilespmem:s29+$0x11150] =	vst v3  }
0xc6: {  	[tilespmem:s29+$0x11160] =	vst v4  }
0xc7: {  	[tilespmem:s29+$0x11170] =	vst v5;
	s29 =	simm.s32 $0x0  }
0xc8: {  	[hbm4b:s7+s29] =	stream.linear.scatter [tilespmem:s24], [sflag:$0x3], $0x4000, $0x38;
	[tilespmem:$0x19130] =	vst v63  }
0xc9: {  	_ =	swait.ge [sflag:s19], $0x4000  }
0xca: {  	[sflag:s19] =	ssyncset.done $0x0  }
0xcb: {  	s29 =	simm.s32 $0x0;
	[sflag:s19] =	ssyncadd.s32 $0xFFFFC000  }
0xcc: {  	v0 =	vld [tilespmem:s29+$0x5180]  }
0xcd: {  	v1 =	vld [tilespmem:s29+$0x5130]  }
0xce: {  	v2 =	vld [tilespmem:s29+$0x5140]  }
0xcf: {  	v3 =	vld [tilespmem:s29+$0x5150]  }
0xd0: {  	s30 =	simm.s32 $0x200;
	v4 =	vld [tilespmem:s29+$0x5160]  }
.LBB2_8:
0xd1: {  	s31 =	sshra.s32 s30, $0x2;
	p1 =	sne.s32 s30, $0xFE00;
	s30 =	sadd.s32 $0x200, s30;
	v5 =	vld [tilespmem:s29+$0x5170];
	[tilespmem:s29+$0x15180] =	vst v0  }
.Ltmp3:
0xd2: {  	v0 =	vld [tilespmem:s31+$0x5180];
	[tilespmem:s29+$0x15130] =	vst v1;
	(pc) =	sbr.rel @p1 .LBB2_8-.Ltmp3, $4  }
0xd3: {  	v1 =	vld [tilespmem:s31+$0x5130];
	[tilespmem:s29+$0x15140] =	vst v2  }
0xd4: {  	v2 =	vld [tilespmem:s31+$0x5140];
	[tilespmem:s29+$0x15150] =	vst v3  }
0xd5: {  	v3 =	vld [tilespmem:s31+$0x5150];
	[tilespmem:s29+$0x15160] =	vst v4  }
0xd6: {  	v4 =	vld [tilespmem:s31+$0x5160];
	[tilespmem:s29+$0x15170] =	vst v5;
	s29 =	smov.u32 s31  }
0xd7: {  	v5 =	vld [tilespmem:s29+$0x5170];
	[tilespmem:s29+$0x15180] =	vst v0  }
0xd8: {  	[tilespmem:s29+$0x15130] =	vst v1  }
0xd9: {  	[tilespmem:s29+$0x15140] =	vst v2  }
0xda: {  	[tilespmem:s29+$0x15150] =	vst v3  }
0xdb: {  	[tilespmem:s29+$0x15160] =	vst v4  }
0xdc: {  	[tilespmem:s29+$0x15170] =	vst v5  }
0xdd: {  	[hbm4b:s8+s2] =	stream.linear.scatter [tilespmem:s25], [sflag:$0x3], $0x4000, $0x38;
	[tilespmem:$0x19130] =	vst v63  }
0xde: {  	_ =	swait.ge [sflag:s26], $0x4000  }
0xdf: {  	[sflag:s26] =	ssyncset.done $0x0  }
0xe0: {  	[sflag:s26] =	ssyncadd.s32 $0xFFFFC000  }
0xe1: {  	_ =	swait.ge [sflag:s26], $0x4000  }
0xe2: {  	[sflag:s26] =	ssyncset.done $0x0  }
0xe3: {  	s28 =	sadd.s32 $0x1, s28;
	[sflag:s26] =	ssyncadd.s32 $0xFFFFC000  }
0xe4: {  	p1 =	sne.s32 s28, s9;
	_ =	swait.ge [sflag:s26], $0x4000  }
.Ltmp4:
0xe5: {  	[sflag:s26] =	ssyncset.done $0x0;
	(pc) =	sbr.rel @p1 .LBB2_1-.Ltmp4, $4  }
0xe6: {  	[sflag:s26] =	ssyncadd.s32 $0xFFFFC000  }
0xe7: {  	_ =	swait.ge [sflag:s26], $0x4000  }
0xe8: {  	[sflag:s26] =	ssyncset.done $0x0  }
0xe9: {  	[sflag:s26] =	ssyncadd.s32 $0xFFFFC000  }
0xea: {  	_ =	sfence.sel $0x180000  }
0xeb: {  	[bflag:$0x0] =	sbarrier.arrive $0xFFFF  }
0xec: {  	_ =	strace $0x90000047  }
0xed: {  	s0 =	sadd.s32 @!p0 $0x100000, s0;
	[bflag:$0x2] =	sbarrier.arrive $0xFFFF  }
0xee: {  	[sflag:s0] =	ssyncadd.tile.s32 @!p0 $0x1;
	_ =	shalt  }
.Lfunc_end2:
_tile_overlayer_lowered:
.L_overlay_start_2:
0xef: {  	(tag) =	ssettag $0x2  }
0xf0: {  	s0 =	rddreg [dreg:$0x0];
	s2 =	stileid.u32  }
0xf1: {  	s1 =	rddreg [dreg:$0x1];
	p0 =	sne.s32 s2, $0x0  }
0xf2: {  	s3 =	rddreg [dreg:$0x2];
	[bflag:$0x3] =	sbarrier.arrive $0xFFFF;
	s2 =	simm.s32 @!p0 $0x1C04  }
0xf3: {  	[timem:s3], [sflag:s2] =	dma.local @!p0 [hbm:s0], s1  }
0xf4: {  	s0 =	simm.s32 @!p0 $0x4  }
0xf5: {  	_ =	swait.ge @!p0 [sflag:s0], s1  }
0xf6: {  	s1 =	ssub.s32 @!p0 $0x0, s1;
	[sflag:s0] =	ssyncset.done @!p0 $0x0  }
0xf7: {  	[sflag:s0] =	ssyncadd.s32 @!p0 s1  }
0xf8: {  	[bflag:$0x3] =	sbarrier.arrive $0xFFFF  }
0xf9: {  	_ =	shalt  }

</sc_bundles>
